<compile_context>
chip_gen: v7x
topology: tpu7x:2x2x1
jax: 0.10.2.dev20260603
libtpu: 0.0.44.dev20260713+nightly
codegen_flags: <defaults>
</compile_context>

<pallas_src>
import functools

import jax
import jax.numpy as jnp
from jax import lax
from jax.experimental import pallas as pl
from jax.experimental.pallas import tpu as pltpu
from jax.experimental.pallas import tpu_sc as plsc

N_NODES = 10000
N_EDGES = 320000
D = 128
H = 4 * D

NC = 2
NS = 16
NW = NC * NS
EPW = N_EDGES // NW
K = 80
NBLK = EPW // K
GB = 8
NG = -(-NBLK // GB)
NBLK_PAD = NG * GB
N_PAD = 10240
ROWS_PER_TILE = N_PAD // NS
ZCH = ROWS_PER_TILE // K

_MESH = plsc.VectorSubcoreMesh(core_axis_name="c", subcore_axis_name="s")


@functools.partial(
    pl.kernel,
    out_type=jax.ShapeDtypeStruct((NC, N_PAD, D), jnp.float32),
    mesh=_MESH,
    scratch_types=[
        pltpu.VMEM((2, GB, K), jnp.int32),
        pltpu.VMEM((2, GB, K), jnp.int32),
        pltpu.VMEM((K, D), jnp.float32),
        pltpu.VMEM((K, D), jnp.float32),
        pltpu.VMEM((K, D), jnp.float32),
        pltpu.VMEM((K, D), jnp.float32),
        pltpu.VMEM_SHARED((N_PAD, D), jnp.float32),
        pltpu.SemaphoreType.DMA,
        pltpu.SemaphoreType.DMA,
        pltpu.SemaphoreType.DMA,
        pltpu.SemaphoreType.DMA,
        pltpu.SemaphoreType.DMA,
        pltpu.SemaphoreType.DMA,
        pltpu.SemaphoreType.DMA,
        pltpu.SemaphoreType.DMA,
        pltpu.SemaphoreType.DMA,
        pltpu.SemaphoreType.DMA,
        pltpu.SemaphoreType.DMA,
        pltpu.SemaphoreType.DMA,
        pltpu.SemaphoreType.DMA,
    ],
)
def _sc_aggregate(x_hbm, src_hbm, dst_hbm, ea_hbm, z_hbm, out_hbm,
                  sidx3, didx3, eb0, eb1, eb2, eb3, accum,
                  gs0, gs1, gs2, gs3, es0, es1, es2, es3,
                  ts0, ts1, ts2, ts3, isem):
    c = lax.axis_index("c")
    s = lax.axis_index("s")
    w = c * NS + s
    eb = (eb0, eb1, eb2, eb3)
    gs = (gs0, gs1, gs2, gs3)
    es = (es0, es1, es2, es3)
    ts = (ts0, ts1, ts2, ts3)

    pltpu.sync_copy(z_hbm, eb0)
    for kk in range(ZCH):
        pltpu.sync_copy(eb0, accum.at[pl.ds(s * ROWS_PER_TILE + kk * K, K)])
    plsc.subcore_barrier()

    class _Op:

        def __init__(self, src, dst, sem, add=False):
            self.src, self.dst, self.sem, self.add = src, dst, sem, add

        def start(self):
            pltpu.async_copy(self.src, self.dst, self.sem, add=self.add)

        def wait(self):
            pltpu.make_async_copy(self.src, self.dst, self.sem).wait()

    def gadd_desc(p, gp, j):
        return _Op(x_hbm.at[sidx3.at[gp, j]], eb[p], gs[p], add=True)

    def efetch_desc(jb, p):
        return _Op(ea_hbm.at[pl.ds(w * EPW + jb * K, K)], eb[p], es[p])

    def escat_desc(p, gp, j):
        return _Op(eb[p], accum.at[didx3.at[gp, j]], ts[p], add=True)

    pltpu.sync_copy(src_hbm.at[w, pl.ds(0, GB)], sidx3.at[0])
    pltpu.sync_copy(dst_hbm.at[w, pl.ds(0, GB)], didx3.at[0])

    def group(g, carry):
        gp = g % 2

        @pl.when(g > 0)
        def _():
            pltpu.make_async_copy(src_hbm.at[w, pl.ds(0, GB)],
                                  sidx3.at[gp], isem).wait()
            pltpu.make_async_copy(dst_hbm.at[w, pl.ds(0, GB)],
                                  didx3.at[gp], isem).wait()

        for j in range(GB):
            jb = g * GB + j
            p = j % 4
            p1 = (j - 1) % 4
            p2 = (j - 2) % 4
            prev_gp = gp if j > 0 else 1 - gp
            prev_j = (j - 1) % GB
            pp_gp = gp if j > 1 else 1 - gp
            pp_j = (j - 2) % GB

            @pl.when(jb < NBLK)
            def _():
                @pl.when(jb >= 4)
                def _():
                    escat_desc(p, gp, j).wait()

                efetch_desc(jb, p).start()

                @pl.when(jb >= 1)
                def _():
                    efetch_desc(jb - 1, p1).wait()
                    gadd_desc(p1, prev_gp, prev_j).start()

                @pl.when(jb >= 2)
                def _():
                    gadd_desc(p2, pp_gp, pp_j).wait()
                    escat_desc(p2, pp_gp, pp_j).start()

            if j == 4:
                @pl.when(g + 1 < NG)
                def _():
                    pltpu.async_copy(src_hbm.at[w, pl.ds((g + 1) * GB, GB)],
                                     sidx3.at[1 - gp], isem)
                    pltpu.async_copy(dst_hbm.at[w, pl.ds((g + 1) * GB, GB)],
                                     didx3.at[1 - gp], isem)
        return carry

    lax.fori_loop(0, NG, group, 0)

    efetch_desc(NBLK - 1, 0).wait()
    gadd_desc(0, 1, 4).start()
    gadd_desc(3, 1, 3).wait()
    escat_desc(3, 1, 3).start()
    gadd_desc(0, 1, 4).wait()
    escat_desc(0, 1, 4).start()
    escat_desc(1, 1, 1).wait()
    escat_desc(2, 1, 2).wait()
    escat_desc(3, 1, 3).wait()
    escat_desc(0, 1, 4).wait()
    plsc.subcore_barrier()

    pltpu.sync_copy(accum.at[pl.ds(s * ROWS_PER_TILE, ROWS_PER_TILE)],
                    out_hbm.at[c, pl.ds(s * ROWS_PER_TILE, ROWS_PER_TILE)])


_NB = 400
_GRID = N_NODES // _NB


def _mlp_body(u0_ref, u1_ref, x_ref, w1_ref, b1_ref, w2_ref, b2_ref,
              g_ref, bt_ref, o_ref):
    u = u0_ref[...] + u1_ref[...]
    h = jnp.dot(u, w1_ref[...], preferred_element_type=jnp.float32) + b1_ref[...]
    h = jnp.maximum(h, 0.0)
    h = jnp.dot(h, w2_ref[...], preferred_element_type=jnp.float32) + b2_ref[...]
    h = h + x_ref[...]
    mean = jnp.mean(h, axis=-1, keepdims=True)
    hc = h - mean
    var = jnp.mean(hc * hc, axis=-1, keepdims=True)
    o_ref[...] = hc * lax.rsqrt(var + 1e-5) * g_ref[...] + bt_ref[...]


_mlp = pl.pallas_call(
    _mlp_body,
    grid=(_GRID,),
    in_specs=[
        pl.BlockSpec((_NB, D), lambda i: (i, 0)),
        pl.BlockSpec((_NB, D), lambda i: (i, 0)),
        pl.BlockSpec((_NB, D), lambda i: (i, 0)),
        pl.BlockSpec((D, H), lambda i: (0, 0)),
        pl.BlockSpec((1, H), lambda i: (0, 0)),
        pl.BlockSpec((H, D), lambda i: (0, 0)),
        pl.BlockSpec((1, D), lambda i: (0, 0)),
        pl.BlockSpec((1, D), lambda i: (0, 0)),
        pl.BlockSpec((1, D), lambda i: (0, 0)),
    ],
    out_specs=pl.BlockSpec((_NB, D), lambda i: (i, 0)),
    out_shape=jax.ShapeDtypeStruct((N_NODES, D), jnp.float32),
)


def kernel(x, edge_index, edge_attr, W1, b1, W2, b2, gamma, beta):
    src = edge_index[0].astype(jnp.int32).reshape(NW, NBLK, K)
    dst = edge_index[1].astype(jnp.int32).reshape(NW, NBLK, K)
    pad = ((0, 0), (0, NBLK_PAD - NBLK), (0, 0))
    src = jnp.pad(src, pad)
    dst = jnp.pad(dst, pad)
    zeros = jnp.zeros((K, D), jnp.float32)
    u_parts = _sc_aggregate(x, src, dst, edge_attr, zeros)
    return _mlp(u_parts[0], u_parts[1], x,
                W1, b1.reshape(1, H), W2, b2.reshape(1, D),
                gamma.reshape(1, D), beta.reshape(1, D))

# --- scband reference (transcript-rebuilt; emitter-appended) ---
"""Pipeline reference for scband-graph-isomorphism-edge-62483184222837 (READ-ONLY COPY).

The authoritative reference and input builder live on the scoring server;
editing this copy changes nothing except your own understanding.
"""

import jax, jax.numpy as jnp
import numpy as np

N_NODES = 10000
N_EDGES = 320000
D = 128
H = 4 * D


def _glorot(key, shape):
    fan_in, fan_out = shape[0], shape[1]
    limit = float(np.sqrt(6.0 / (fan_in + fan_out)))
    return jax.random.uniform(key, shape, dtype=jnp.float32, minval=-limit, maxval=limit)


def setup_inputs(seed: int = 0) -> dict:
    key = jax.random.key(seed)
    ks = jax.random.split(key, 8)
    x = jax.random.normal(ks[0], (N_NODES, D), dtype=jnp.float32)
    edge_index = jax.random.randint(ks[1], (2, N_EDGES), 0, N_NODES, dtype=jnp.int64)
    edge_attr = jax.random.normal(ks[2], (N_EDGES, D), dtype=jnp.float32)
    W1 = _glorot(ks[3], (D, H))
    b1 = jnp.zeros((H,), dtype=jnp.float32)
    W2 = _glorot(ks[4], (H, D))
    b2 = jnp.zeros((D,), dtype=jnp.float32)
    gamma = jnp.ones((D,), dtype=jnp.float32)
    beta = jnp.zeros((D,), dtype=jnp.float32)
    return {"x": x, "edge_index": edge_index, "edge_attr": edge_attr,
            "W1": W1, "b1": b1, "W2": W2, "b2": b2, "gamma": gamma, "beta": beta}


def reference(x, edge_index, edge_attr, W1, b1, W2, b2, gamma, beta):
    src = edge_index[0]
    dst = edge_index[1]
    # copy_u('h','m') + sum -> neigh: gather src node features, scatter-add to dst
    neigh = jax.ops.segment_sum(jnp.take(x, src, axis=0), dst, num_segments=N_NODES)
    # copy_edge('e_ij','m_e') + sum -> u_: scatter-add edge features to dst
    u_edge = jax.ops.segment_sum(edge_attr, dst, num_segments=N_NODES)
    u_ = neigh + u_edge
    # MLP(input_dim=D, hidden=4D, output=D) with relu
    h = jnp.dot(u_, W1) + b1
    h = jax.nn.relu(h)
    h = jnp.dot(h, W2) + b2
    h = h + x  # residual with h0
    # LayerNorm over last dim, eps=1e-5
    mean = jnp.mean(h, axis=-1, keepdims=True)
    var = jnp.var(h, axis=-1, keepdims=True)
    h = (h - mean) / jnp.sqrt(var + 1e-5)
    h = h * gamma + beta
    # dropout with training=False is identity
    return h

if __name__ == "__main__":
    import jax
    _d = setup_inputs()
    print(jax.jit(kernel)(*tuple(_d.values())))

</pallas_src>

<mosaic_0001>
#map = affine_map<(d0, d1) -> (0, 0)>
#map1 = affine_map<(d0, d1) -> (0, 0, 0)>
module attributes {stable_mosaic.version = 14 : i64} {
  func.func @_sc_aggregate(%arg0: i32, %arg1: i32, %arg2: memref<10000x128xf32, #tpu.memory_space<hbm>>, %arg3: memref<32x128x80xi32, #tpu.memory_space<hbm>>, %arg4: memref<32x128x80xi32, #tpu.memory_space<hbm>>, %arg5: memref<320000x128xf32, #tpu.memory_space<hbm>>, %arg6: memref<80x128xf32, #tpu.memory_space<hbm>>, %arg7: memref<2x10240x128xf32, #tpu.memory_space<hbm>>, %arg8: memref<2x8x80xi32, #tpu.memory_space<vmem>>, %arg9: memref<2x8x80xi32, #tpu.memory_space<vmem>>, %arg10: memref<80x128xf32, #tpu.memory_space<vmem>>, %arg11: memref<80x128xf32, #tpu.memory_space<vmem>>, %arg12: memref<80x128xf32, #tpu.memory_space<vmem>>, %arg13: memref<80x128xf32, #tpu.memory_space<vmem>>, %arg14: memref<10240x128xf32, #tpu.memory_space<vmem_shared>>, %arg15: memref<!tpu.dma_semaphore, #tpu.memory_space<semaphore_mem>>, %arg16: memref<!tpu.dma_semaphore, #tpu.memory_space<semaphore_mem>>, %arg17: memref<!tpu.dma_semaphore, #tpu.memory_space<semaphore_mem>>, %arg18: memref<!tpu.dma_semaphore, #tpu.memory_space<semaphore_mem>>, %arg19: memref<!tpu.dma_semaphore, #tpu.memory_space<semaphore_mem>>, %arg20: memref<!tpu.dma_semaphore, #tpu.memory_space<semaphore_mem>>, %arg21: memref<!tpu.dma_semaphore, #tpu.memory_space<semaphore_mem>>, %arg22: memref<!tpu.dma_semaphore, #tpu.memory_space<semaphore_mem>>, %arg23: memref<!tpu.dma_semaphore, #tpu.memory_space<semaphore_mem>>, %arg24: memref<!tpu.dma_semaphore, #tpu.memory_space<semaphore_mem>>, %arg25: memref<!tpu.dma_semaphore, #tpu.memory_space<semaphore_mem>>, %arg26: memref<!tpu.dma_semaphore, #tpu.memory_space<semaphore_mem>>, %arg27: memref<!tpu.dma_semaphore, #tpu.memory_space<semaphore_mem>>) attributes {dimension_semantics = [#tpu.dimension_semantics<core_parallel>, #tpu.dimension_semantics<subcore_parallel>], iteration_bounds = array<i64: 2, 16>, scalar_prefetch = 0 : i64, scratch_operands = 20 : i64, tpu.core_type = #tpu.core_type<sc_vector_subcore>, window_params = [{transform_indices = #map}, {transform_indices = #map1}, {transform_indices = #map1}, {transform_indices = #map}, {transform_indices = #map}, {transform_indices = #map1}]} {
    %mul3A = arith.constant 16 : i32
    %mul3A_0 = arith.muli %arg0, %mul3A : i32
    %add3A = arith.addi %mul3A_0, %arg1 : i32
    "tpu.region"() ({
      %run_scoped3A_122 = tpu.sem_alloc : memref<!tpu.dma_semaphore, #tpu.memory_space<semaphore_mem>>
      tpu.enqueue_dma source(%arg6 : memref<80x128xf32, #tpu.memory_space<hbm>>) target(%arg10 : memref<80x128xf32, #tpu.memory_space<vmem>>) target_semaphore(%run_scoped3A_122 : memref<!tpu.dma_semaphore, #tpu.memory_space<semaphore_mem>>)
      tpu.wait_dma2 semaphore(%run_scoped3A_122 : memref<!tpu.dma_semaphore, #tpu.memory_space<semaphore_mem>>) src(%arg6 : memref<80x128xf32, #tpu.memory_space<hbm>>) dst(%arg10 : memref<80x128xf32, #tpu.memory_space<vmem>>)
      tpu.yield
    }) : () -> ()
    %mul3A_1 = arith.constant 640 : i32
    %mul3A_2 = arith.muli %arg1, %mul3A_1 : i32
    %add3A_3 = arith.constant 0 : i32
    %add3A_4 = arith.addi %mul3A_2, %add3A_3 : i32
    "tpu.region"() ({
      %run_scoped3A_122 = tpu.sem_alloc : memref<!tpu.dma_semaphore, #tpu.memory_space<semaphore_mem>>
      %dma_start3A_123 = arith.constant 0 : i32
      %dma_start3A_124 = tpu.memref_slice %arg14[%add3A_4, %dma_start3A_123] : memref<10240x128xf32, #tpu.memory_space<vmem_shared>> -> memref<80x128xf32, #tpu.memory_space<vmem_shared>>
      %dma_start3A_125 = arith.constant 0 : i32
      %dma_start3A_126 = tpu.memref_slice %arg14[%add3A_4, %dma_start3A_125] : memref<10240x128xf32, #tpu.memory_space<vmem_shared>> -> memref<80x128xf32, #tpu.memory_space<vmem_shared>>
      tpu.enqueue_dma source(%arg10 : memref<80x128xf32, #tpu.memory_space<vmem>>) target(%dma_start3A_126 : memref<80x128xf32, #tpu.memory_space<vmem_shared>>) target_semaphore(%run_scoped3A_122 : memref<!tpu.dma_semaphore, #tpu.memory_space<semaphore_mem>>)
      %dma_wait3A_127 = arith.constant 0 : i32
      %dma_wait3A_128 = tpu.memref_slice %arg14[%add3A_4, %dma_wait3A_127] : memref<10240x128xf32, #tpu.memory_space<vmem_shared>> -> memref<80x128xf32, #tpu.memory_space<vmem_shared>>
      %dma_wait3A_129 = arith.constant 0 : i32
      %dma_wait3A_130 = tpu.memref_slice %arg14[%add3A_4, %dma_wait3A_129] : memref<10240x128xf32, #tpu.memory_space<vmem_shared>> -> memref<80x128xf32, #tpu.memory_space<vmem_shared>>
      tpu.wait_dma2 semaphore(%run_scoped3A_122 : memref<!tpu.dma_semaphore, #tpu.memory_space<semaphore_mem>>) src(%arg10 : memref<80x128xf32, #tpu.memory_space<vmem>>) dst(%dma_wait3A_130 : memref<80x128xf32, #tpu.memory_space<vmem_shared>>)
      tpu.yield
    }) : () -> ()
    %mul3A_5 = arith.constant 640 : i32
    %mul3A_6 = arith.muli %arg1, %mul3A_5 : i32
    %add3A_7 = arith.constant 80 : i32
    %add3A_8 = arith.addi %mul3A_6, %add3A_7 : i32
    "tpu.region"() ({
      %run_scoped3A_122 = tpu.sem_alloc : memref<!tpu.dma_semaphore, #tpu.memory_space<semaphore_mem>>
      %dma_start3A_123 = arith.constant 0 : i32
      %dma_start3A_124 = tpu.memref_slice %arg14[%add3A_8, %dma_start3A_123] : memref<10240x128xf32, #tpu.memory_space<vmem_shared>> -> memref<80x128xf32, #tpu.memory_space<vmem_shared>>
      %dma_start3A_125 = arith.constant 0 : i32
      %dma_start3A_126 = tpu.memref_slice %arg14[%add3A_8, %dma_start3A_125] : memref<10240x128xf32, #tpu.memory_space<vmem_shared>> -> memref<80x128xf32, #tpu.memory_space<vmem_shared>>
      tpu.enqueue_dma source(%arg10 : memref<80x128xf32, #tpu.memory_space<vmem>>) target(%dma_start3A_126 : memref<80x128xf32, #tpu.memory_space<vmem_shared>>) target_semaphore(%run_scoped3A_122 : memref<!tpu.dma_semaphore, #tpu.memory_space<semaphore_mem>>)
      %dma_wait3A_127 = arith.constant 0 : i32
      %dma_wait3A_128 = tpu.memref_slice %arg14[%add3A_8, %dma_wait3A_127] : memref<10240x128xf32, #tpu.memory_space<vmem_shared>> -> memref<80x128xf32, #tpu.memory_space<vmem_shared>>
      %dma_wait3A_129 = arith.constant 0 : i32
      %dma_wait3A_130 = tpu.memref_slice %arg14[%add3A_8, %dma_wait3A_129] : memref<10240x128xf32, #tpu.memory_space<vmem_shared>> -> memref<80x128xf32, #tpu.memory_space<vmem_shared>>
      tpu.wait_dma2 semaphore(%run_scoped3A_122 : memref<!tpu.dma_semaphore, #tpu.memory_space<semaphore_mem>>) src(%arg10 : memref<80x128xf32, #tpu.memory_space<vmem>>) dst(%dma_wait3A_130 : memref<80x128xf32, #tpu.memory_space<vmem_shared>>)
      tpu.yield
    }) : () -> ()
    %mul3A_9 = arith.constant 640 : i32
    %mul3A_10 = arith.muli %arg1, %mul3A_9 : i32
    %add3A_11 = arith.constant 160 : i32
    %add3A_12 = arith.addi %mul3A_10, %add3A_11 : i32
    "tpu.region"() ({
      %run_scoped3A_122 = tpu.sem_alloc : memref<!tpu.dma_semaphore, #tpu.memory_space<semaphore_mem>>
      %dma_start3A_123 = arith.constant 0 : i32
      %dma_start3A_124 = tpu.memref_slice %arg14[%add3A_12, %dma_start3A_123] : memref<10240x128xf32, #tpu.memory_space<vmem_shared>> -> memref<80x128xf32, #tpu.memory_space<vmem_shared>>
      %dma_start3A_125 = arith.constant 0 : i32
      %dma_start3A_126 = tpu.memref_slice %arg14[%add3A_12, %dma_start3A_125] : memref<10240x128xf32, #tpu.memory_space<vmem_shared>> -> memref<80x128xf32, #tpu.memory_space<vmem_shared>>
      tpu.enqueue_dma source(%arg10 : memref<80x128xf32, #tpu.memory_space<vmem>>) target(%dma_start3A_126 : memref<80x128xf32, #tpu.memory_space<vmem_shared>>) target_semaphore(%run_scoped3A_122 : memref<!tpu.dma_semaphore, #tpu.memory_space<semaphore_mem>>)
      %dma_wait3A_127 = arith.constant 0 : i32
      %dma_wait3A_128 = tpu.memref_slice %arg14[%add3A_12, %dma_wait3A_127] : memref<10240x128xf32, #tpu.memory_space<vmem_shared>> -> memref<80x128xf32, #tpu.memory_space<vmem_shared>>
      %dma_wait3A_129 = arith.constant 0 : i32
      %dma_wait3A_130 = tpu.memref_slice %arg14[%add3A_12, %dma_wait3A_129] : memref<10240x128xf32, #tpu.memory_space<vmem_shared>> -> memref<80x128xf32, #tpu.memory_space<vmem_shared>>
      tpu.wait_dma2 semaphore(%run_scoped3A_122 : memref<!tpu.dma_semaphore, #tpu.memory_space<semaphore_mem>>) src(%arg10 : memref<80x128xf32, #tpu.memory_space<vmem>>) dst(%dma_wait3A_130 : memref<80x128xf32, #tpu.memory_space<vmem_shared>>)
      tpu.yield
    }) : () -> ()
    %mul3A_13 = arith.constant 640 : i32
    %mul3A_14 = arith.muli %arg1, %mul3A_13 : i32
    %add3A_15 = arith.constant 240 : i32
    %add3A_16 = arith.addi %mul3A_14, %add3A_15 : i32
    "tpu.region"() ({
      %run_scoped3A_122 = tpu.sem_alloc : memref<!tpu.dma_semaphore, #tpu.memory_space<semaphore_mem>>
      %dma_start3A_123 = arith.constant 0 : i32
      %dma_start3A_124 = tpu.memref_slice %arg14[%add3A_16, %dma_start3A_123] : memref<10240x128xf32, #tpu.memory_space<vmem_shared>> -> memref<80x128xf32, #tpu.memory_space<vmem_shared>>
      %dma_start3A_125 = arith.constant 0 : i32
      %dma_start3A_126 = tpu.memref_slice %arg14[%add3A_16, %dma_start3A_125] : memref<10240x128xf32, #tpu.memory_space<vmem_shared>> -> memref<80x128xf32, #tpu.memory_space<vmem_shared>>
      tpu.enqueue_dma source(%arg10 : memref<80x128xf32, #tpu.memory_space<vmem>>) target(%dma_start3A_126 : memref<80x128xf32, #tpu.memory_space<vmem_shared>>) target_semaphore(%run_scoped3A_122 : memref<!tpu.dma_semaphore, #tpu.memory_space<semaphore_mem>>)
      %dma_wait3A_127 = arith.constant 0 : i32
      %dma_wait3A_128 = tpu.memref_slice %arg14[%add3A_16, %dma_wait3A_127] : memref<10240x128xf32, #tpu.memory_space<vmem_shared>> -> memref<80x128xf32, #tpu.memory_space<vmem_shared>>
      %dma_wait3A_129 = arith.constant 0 : i32
      %dma_wait3A_130 = tpu.memref_slice %arg14[%add3A_16, %dma_wait3A_129] : memref<10240x128xf32, #tpu.memory_space<vmem_shared>> -> memref<80x128xf32, #tpu.memory_space<vmem_shared>>
      tpu.wait_dma2 semaphore(%run_scoped3A_122 : memref<!tpu.dma_semaphore, #tpu.memory_space<semaphore_mem>>) src(%arg10 : memref<80x128xf32, #tpu.memory_space<vmem>>) dst(%dma_wait3A_130 : memref<80x128xf32, #tpu.memory_space<vmem_shared>>)
      tpu.yield
    }) : () -> ()
    %mul3A_17 = arith.constant 640 : i32
    %mul3A_18 = arith.muli %arg1, %mul3A_17 : i32
    %add3A_19 = arith.constant 320 : i32
    %add3A_20 = arith.addi %mul3A_18, %add3A_19 : i32
    "tpu.region"() ({
      %run_scoped3A_122 = tpu.sem_alloc : memref<!tpu.dma_semaphore, #tpu.memory_space<semaphore_mem>>
      %dma_start3A_123 = arith.constant 0 : i32
      %dma_start3A_124 = tpu.memref_slice %arg14[%add3A_20, %dma_start3A_123] : memref<10240x128xf32, #tpu.memory_space<vmem_shared>> -> memref<80x128xf32, #tpu.memory_space<vmem_shared>>
      %dma_start3A_125 = arith.constant 0 : i32
      %dma_start3A_126 = tpu.memref_slice %arg14[%add3A_20, %dma_start3A_125] : memref<10240x128xf32, #tpu.memory_space<vmem_shared>> -> memref<80x128xf32, #tpu.memory_space<vmem_shared>>
      tpu.enqueue_dma source(%arg10 : memref<80x128xf32, #tpu.memory_space<vmem>>) target(%dma_start3A_126 : memref<80x128xf32, #tpu.memory_space<vmem_shared>>) target_semaphore(%run_scoped3A_122 : memref<!tpu.dma_semaphore, #tpu.memory_space<semaphore_mem>>)
      %dma_wait3A_127 = arith.constant 0 : i32
      %dma_wait3A_128 = tpu.memref_slice %arg14[%add3A_20, %dma_wait3A_127] : memref<10240x128xf32, #tpu.memory_space<vmem_shared>> -> memref<80x128xf32, #tpu.memory_space<vmem_shared>>
      %dma_wait3A_129 = arith.constant 0 : i32
      %dma_wait3A_130 = tpu.memref_slice %arg14[%add3A_20, %dma_wait3A_129] : memref<10240x128xf32, #tpu.memory_space<vmem_shared>> -> memref<80x128xf32, #tpu.memory_space<vmem_shared>>
      tpu.wait_dma2 semaphore(%run_scoped3A_122 : memref<!tpu.dma_semaphore, #tpu.memory_space<semaphore_mem>>) src(%arg10 : memref<80x128xf32, #tpu.memory_space<vmem>>) dst(%dma_wait3A_130 : memref<80x128xf32, #tpu.memory_space<vmem_shared>>)
      tpu.yield
    }) : () -> ()
    %mul3A_21 = arith.constant 640 : i32
    %mul3A_22 = arith.muli %arg1, %mul3A_21 : i32
    %add3A_23 = arith.constant 400 : i32
    %add3A_24 = arith.addi %mul3A_22, %add3A_23 : i32
    "tpu.region"() ({
      %run_scoped3A_122 = tpu.sem_alloc : memref<!tpu.dma_semaphore, #tpu.memory_space<semaphore_mem>>
      %dma_start3A_123 = arith.constant 0 : i32
      %dma_start3A_124 = tpu.memref_slice %arg14[%add3A_24, %dma_start3A_123] : memref<10240x128xf32, #tpu.memory_space<vmem_shared>> -> memref<80x128xf32, #tpu.memory_space<vmem_shared>>
      %dma_start3A_125 = arith.constant 0 : i32
      %dma_start3A_126 = tpu.memref_slice %arg14[%add3A_24, %dma_start3A_125] : memref<10240x128xf32, #tpu.memory_space<vmem_shared>> -> memref<80x128xf32, #tpu.memory_space<vmem_shared>>
      tpu.enqueue_dma source(%arg10 : memref<80x128xf32, #tpu.memory_space<vmem>>) target(%dma_start3A_126 : memref<80x128xf32, #tpu.memory_space<vmem_shared>>) target_semaphore(%run_scoped3A_122 : memref<!tpu.dma_semaphore, #tpu.memory_space<semaphore_mem>>)
      %dma_wait3A_127 = arith.constant 0 : i32
      %dma_wait3A_128 = tpu.memref_slice %arg14[%add3A_24, %dma_wait3A_127] : memref<10240x128xf32, #tpu.memory_space<vmem_shared>> -> memref<80x128xf32, #tpu.memory_space<vmem_shared>>
      %dma_wait3A_129 = arith.constant 0 : i32
      %dma_wait3A_130 = tpu.memref_slice %arg14[%add3A_24, %dma_wait3A_129] : memref<10240x128xf32, #tpu.memory_space<vmem_shared>> -> memref<80x128xf32, #tpu.memory_space<vmem_shared>>
      tpu.wait_dma2 semaphore(%run_scoped3A_122 : memref<!tpu.dma_semaphore, #tpu.memory_space<semaphore_mem>>) src(%arg10 : memref<80x128xf32, #tpu.memory_space<vmem>>) dst(%dma_wait3A_130 : memref<80x128xf32, #tpu.memory_space<vmem_shared>>)
      tpu.yield
    }) : () -> ()
    %mul3A_25 = arith.constant 640 : i32
    %mul3A_26 = arith.muli %arg1, %mul3A_25 : i32
    %add3A_27 = arith.constant 480 : i32
    %add3A_28 = arith.addi %mul3A_26, %add3A_27 : i32
    "tpu.region"() ({
      %run_scoped3A_122 = tpu.sem_alloc : memref<!tpu.dma_semaphore, #tpu.memory_space<semaphore_mem>>
      %dma_start3A_123 = arith.constant 0 : i32
      %dma_start3A_124 = tpu.memref_slice %arg14[%add3A_28, %dma_start3A_123] : memref<10240x128xf32, #tpu.memory_space<vmem_shared>> -> memref<80x128xf32, #tpu.memory_space<vmem_shared>>
      %dma_start3A_125 = arith.constant 0 : i32
      %dma_start3A_126 = tpu.memref_slice %arg14[%add3A_28, %dma_start3A_125] : memref<10240x128xf32, #tpu.memory_space<vmem_shared>> -> memref<80x128xf32, #tpu.memory_space<vmem_shared>>
      tpu.enqueue_dma source(%arg10 : memref<80x128xf32, #tpu.memory_space<vmem>>) target(%dma_start3A_126 : memref<80x128xf32, #tpu.memory_space<vmem_shared>>) target_semaphore(%run_scoped3A_122 : memref<!tpu.dma_semaphore, #tpu.memory_space<semaphore_mem>>)
      %dma_wait3A_127 = arith.constant 0 : i32
      %dma_wait3A_128 = tpu.memref_slice %arg14[%add3A_28, %dma_wait3A_127] : memref<10240x128xf32, #tpu.memory_space<vmem_shared>> -> memref<80x128xf32, #tpu.memory_space<vmem_shared>>
      %dma_wait3A_129 = arith.constant 0 : i32
      %dma_wait3A_130 = tpu.memref_slice %arg14[%add3A_28, %dma_wait3A_129] : memref<10240x128xf32, #tpu.memory_space<vmem_shared>> -> memref<80x128xf32, #tpu.memory_space<vmem_shared>>
      tpu.wait_dma2 semaphore(%run_scoped3A_122 : memref<!tpu.dma_semaphore, #tpu.memory_space<semaphore_mem>>) src(%arg10 : memref<80x128xf32, #tpu.memory_space<vmem>>) dst(%dma_wait3A_130 : memref<80x128xf32, #tpu.memory_space<vmem_shared>>)
      tpu.yield
    }) : () -> ()
    %mul3A_29 = arith.constant 640 : i32
    %mul3A_30 = arith.muli %arg1, %mul3A_29 : i32
    %add3A_31 = arith.constant 560 : i32
    %add3A_32 = arith.addi %mul3A_30, %add3A_31 : i32
    "tpu.region"() ({
      %run_scoped3A_122 = tpu.sem_alloc : memref<!tpu.dma_semaphore, #tpu.memory_space<semaphore_mem>>
      %dma_start3A_123 = arith.constant 0 : i32
      %dma_start3A_124 = tpu.memref_slice %arg14[%add3A_32, %dma_start3A_123] : memref<10240x128xf32, #tpu.memory_space<vmem_shared>> -> memref<80x128xf32, #tpu.memory_space<vmem_shared>>
      %dma_start3A_125 = arith.constant 0 : i32
      %dma_start3A_126 = tpu.memref_slice %arg14[%add3A_32, %dma_start3A_125] : memref<10240x128xf32, #tpu.memory_space<vmem_shared>> -> memref<80x128xf32, #tpu.memory_space<vmem_shared>>
      tpu.enqueue_dma source(%arg10 : memref<80x128xf32, #tpu.memory_space<vmem>>) target(%dma_start3A_126 : memref<80x128xf32, #tpu.memory_space<vmem_shared>>) target_semaphore(%run_scoped3A_122 : memref<!tpu.dma_semaphore, #tpu.memory_space<semaphore_mem>>)
      %dma_wait3A_127 = arith.constant 0 : i32
      %dma_wait3A_128 = tpu.memref_slice %arg14[%add3A_32, %dma_wait3A_127] : memref<10240x128xf32, #tpu.memory_space<vmem_shared>> -> memref<80x128xf32, #tpu.memory_space<vmem_shared>>
      %dma_wait3A_129 = arith.constant 0 : i32
      %dma_wait3A_130 = tpu.memref_slice %arg14[%add3A_32, %dma_wait3A_129] : memref<10240x128xf32, #tpu.memory_space<vmem_shared>> -> memref<80x128xf32, #tpu.memory_space<vmem_shared>>
      tpu.wait_dma2 semaphore(%run_scoped3A_122 : memref<!tpu.dma_semaphore, #tpu.memory_space<semaphore_mem>>) src(%arg10 : memref<80x128xf32, #tpu.memory_space<vmem>>) dst(%dma_wait3A_130 : memref<80x128xf32, #tpu.memory_space<vmem_shared>>)
      tpu.yield
    }) : () -> ()
    %barrier3A = arith.constant 0 : index
    tpu.barrier barrier_id(%barrier3A)
    %run_scoped3A = arith.constant 0 : i32
    "tpu.region"() ({
      %run_scoped3A_122 = tpu.sem_alloc : memref<!tpu.dma_semaphore, #tpu.memory_space<semaphore_mem>>
      %dma_start3A_123 = arith.constant 0 : i32
      %dma_start3A_124 = arith.constant 0 : i32
      %dma_start3A_125 = tpu.memref_slice %arg8[%run_scoped3A, %dma_start3A_123, %dma_start3A_124] : memref<2x8x80xi32, #tpu.memory_space<vmem>> -> memref<1x8x80xi32, #tpu.memory_space<vmem>>
      %dma_start3A_126 = tpu.memref_squeeze %dma_start3A_125 : memref<1x8x80xi32, #tpu.memory_space<vmem>> -> memref<8x80xi32, #tpu.memory_space<vmem>>
      %dma_start3A_127 = arith.constant 0 : i32
      %dma_start3A_128 = arith.constant 0 : i32
      %dma_start3A_129 = tpu.memref_slice %arg3[%add3A, %dma_start3A_127, %dma_start3A_128] : memref<32x128x80xi32, #tpu.memory_space<hbm>> -> memref<1x8x80xi32, #tpu.memory_space<hbm>>
      %dma_start3A_130 = tpu.memref_squeeze %dma_start3A_129 : memref<1x8x80xi32, #tpu.memory_space<hbm>> -> memref<8x80xi32, #tpu.memory_space<hbm>>
      %dma_start3A_131 = arith.constant 0 : i32
      %dma_start3A_132 = arith.constant 0 : i32
      %dma_start3A_133 = tpu.memref_slice %arg8[%run_scoped3A, %dma_start3A_131, %dma_start3A_132] : memref<2x8x80xi32, #tpu.memory_space<vmem>> -> memref<1x8x80xi32, #tpu.memory_space<vmem>>
      %dma_start3A_134 = tpu.memref_squeeze %dma_start3A_133 : memref<1x8x80xi32, #tpu.memory_space<vmem>> -> memref<8x80xi32, #tpu.memory_space<vmem>>
      %dma_start3A_135 = arith.constant 0 : i32
      %dma_start3A_136 = arith.constant 0 : i32
      %dma_start3A_137 = tpu.memref_slice %arg3[%add3A, %dma_start3A_135, %dma_start3A_136] : memref<32x128x80xi32, #tpu.memory_space<hbm>> -> memref<1x8x80xi32, #tpu.memory_space<hbm>>
      %dma_start3A_138 = tpu.memref_squeeze %dma_start3A_137 : memref<1x8x80xi32, #tpu.memory_space<hbm>> -> memref<8x80xi32, #tpu.memory_space<hbm>>
      tpu.enqueue_dma source(%dma_start3A_138 : memref<8x80xi32, #tpu.memory_space<hbm>>) target(%dma_start3A_134 : memref<8x80xi32, #tpu.memory_space<vmem>>) target_semaphore(%run_scoped3A_122 : memref<!tpu.dma_semaphore, #tpu.memory_space<semaphore_mem>>)
      %dma_wait3A_139 = arith.constant 0 : i32
      %dma_wait3A_140 = arith.constant 0 : i32
      %dma_wait3A_141 = tpu.memref_slice %arg8[%run_scoped3A, %dma_wait3A_139, %dma_wait3A_140] : memref<2x8x80xi32, #tpu.memory_space<vmem>> -> memref<1x8x80xi32, #tpu.memory_space<vmem>>
      %dma_wait3A_142 = tpu.memref_squeeze %dma_wait3A_141 : memref<1x8x80xi32, #tpu.memory_space<vmem>> -> memref<8x80xi32, #tpu.memory_space<vmem>>
      %dma_wait3A_143 = arith.constant 0 : i32
      %dma_wait3A_144 = arith.constant 0 : i32
      %dma_wait3A_145 = tpu.memref_slice %arg3[%add3A, %dma_wait3A_143, %dma_wait3A_144] : memref<32x128x80xi32, #tpu.memory_space<hbm>> -> memref<1x8x80xi32, #tpu.memory_space<hbm>>
      %dma_wait3A_146 = tpu.memref_squeeze %dma_wait3A_145 : memref<1x8x80xi32, #tpu.memory_space<hbm>> -> memref<8x80xi32, #tpu.memory_space<hbm>>
      %dma_wait3A_147 = arith.constant 0 : i32
      %dma_wait3A_148 = arith.constant 0 : i32
      %dma_wait3A_149 = tpu.memref_slice %arg8[%run_scoped3A, %dma_wait3A_147, %dma_wait3A_148] : memref<2x8x80xi32, #tpu.memory_space<vmem>> -> memref<1x8x80xi32, #tpu.memory_space<vmem>>
      %dma_wait3A_150 = tpu.memref_squeeze %dma_wait3A_149 : memref<1x8x80xi32, #tpu.memory_space<vmem>> -> memref<8x80xi32, #tpu.memory_space<vmem>>
      %dma_wait3A_151 = arith.constant 0 : i32
      %dma_wait3A_152 = arith.constant 0 : i32
      %dma_wait3A_153 = tpu.memref_slice %arg3[%add3A, %dma_wait3A_151, %dma_wait3A_152] : memref<32x128x80xi32, #tpu.memory_space<hbm>> -> memref<1x8x80xi32, #tpu.memory_space<hbm>>
      %dma_wait3A_154 = tpu.memref_squeeze %dma_wait3A_153 : memref<1x8x80xi32, #tpu.memory_space<hbm>> -> memref<8x80xi32, #tpu.memory_space<hbm>>
      tpu.wait_dma2 semaphore(%run_scoped3A_122 : memref<!tpu.dma_semaphore, #tpu.memory_space<semaphore_mem>>) src(%dma_wait3A_154 : memref<8x80xi32, #tpu.memory_space<hbm>>) dst(%dma_wait3A_150 : memref<8x80xi32, #tpu.memory_space<vmem>>)
      tpu.yield
    }) : () -> ()
    %run_scoped3A_33 = arith.constant 0 : i32
    "tpu.region"() ({
      %run_scoped3A_122 = tpu.sem_alloc : memref<!tpu.dma_semaphore, #tpu.memory_space<semaphore_mem>>
      %dma_start3A_123 = arith.constant 0 : i32
      %dma_start3A_124 = arith.constant 0 : i32
      %dma_start3A_125 = tpu.memref_slice %arg9[%run_scoped3A_33, %dma_start3A_123, %dma_start3A_124] : memref<2x8x80xi32, #tpu.memory_space<vmem>> -> memref<1x8x80xi32, #tpu.memory_space<vmem>>
      %dma_start3A_126 = tpu.memref_squeeze %dma_start3A_125 : memref<1x8x80xi32, #tpu.memory_space<vmem>> -> memref<8x80xi32, #tpu.memory_space<vmem>>
      %dma_start3A_127 = arith.constant 0 : i32
      %dma_start3A_128 = arith.constant 0 : i32
      %dma_start3A_129 = tpu.memref_slice %arg4[%add3A, %dma_start3A_127, %dma_start3A_128] : memref<32x128x80xi32, #tpu.memory_space<hbm>> -> memref<1x8x80xi32, #tpu.memory_space<hbm>>
      %dma_start3A_130 = tpu.memref_squeeze %dma_start3A_129 : memref<1x8x80xi32, #tpu.memory_space<hbm>> -> memref<8x80xi32, #tpu.memory_space<hbm>>
      %dma_start3A_131 = arith.constant 0 : i32
      %dma_start3A_132 = arith.constant 0 : i32
      %dma_start3A_133 = tpu.memref_slice %arg9[%run_scoped3A_33, %dma_start3A_131, %dma_start3A_132] : memref<2x8x80xi32, #tpu.memory_space<vmem>> -> memref<1x8x80xi32, #tpu.memory_space<vmem>>
      %dma_start3A_134 = tpu.memref_squeeze %dma_start3A_133 : memref<1x8x80xi32, #tpu.memory_space<vmem>> -> memref<8x80xi32, #tpu.memory_space<vmem>>
      %dma_start3A_135 = arith.constant 0 : i32
      %dma_start3A_136 = arith.constant 0 : i32
      %dma_start3A_137 = tpu.memref_slice %arg4[%add3A, %dma_start3A_135, %dma_start3A_136] : memref<32x128x80xi32, #tpu.memory_space<hbm>> -> memref<1x8x80xi32, #tpu.memory_space<hbm>>
      %dma_start3A_138 = tpu.memref_squeeze %dma_start3A_137 : memref<1x8x80xi32, #tpu.memory_space<hbm>> -> memref<8x80xi32, #tpu.memory_space<hbm>>
      tpu.enqueue_dma source(%dma_start3A_138 : memref<8x80xi32, #tpu.memory_space<hbm>>) target(%dma_start3A_134 : memref<8x80xi32, #tpu.memory_space<vmem>>) target_semaphore(%run_scoped3A_122 : memref<!tpu.dma_semaphore, #tpu.memory_space<semaphore_mem>>)
      %dma_wait3A_139 = arith.constant 0 : i32
      %dma_wait3A_140 = arith.constant 0 : i32
      %dma_wait3A_141 = tpu.memref_slice %arg9[%run_scoped3A_33, %dma_wait3A_139, %dma_wait3A_140] : memref<2x8x80xi32, #tpu.memory_space<vmem>> -> memref<1x8x80xi32, #tpu.memory_space<vmem>>
      %dma_wait3A_142 = tpu.memref_squeeze %dma_wait3A_141 : memref<1x8x80xi32, #tpu.memory_space<vmem>> -> memref<8x80xi32, #tpu.memory_space<vmem>>
      %dma_wait3A_143 = arith.constant 0 : i32
      %dma_wait3A_144 = arith.constant 0 : i32
      %dma_wait3A_145 = tpu.memref_slice %arg4[%add3A, %dma_wait3A_143, %dma_wait3A_144] : memref<32x128x80xi32, #tpu.memory_space<hbm>> -> memref<1x8x80xi32, #tpu.memory_space<hbm>>
      %dma_wait3A_146 = tpu.memref_squeeze %dma_wait3A_145 : memref<1x8x80xi32, #tpu.memory_space<hbm>> -> memref<8x80xi32, #tpu.memory_space<hbm>>
      %dma_wait3A_147 = arith.constant 0 : i32
      %dma_wait3A_148 = arith.constant 0 : i32
      %dma_wait3A_149 = tpu.memref_slice %arg9[%run_scoped3A_33, %dma_wait3A_147, %dma_wait3A_148] : memref<2x8x80xi32, #tpu.memory_space<vmem>> -> memref<1x8x80xi32, #tpu.memory_space<vmem>>
      %dma_wait3A_150 = tpu.memref_squeeze %dma_wait3A_149 : memref<1x8x80xi32, #tpu.memory_space<vmem>> -> memref<8x80xi32, #tpu.memory_space<vmem>>
      %dma_wait3A_151 = arith.constant 0 : i32
      %dma_wait3A_152 = arith.constant 0 : i32
      %dma_wait3A_153 = tpu.memref_slice %arg4[%add3A, %dma_wait3A_151, %dma_wait3A_152] : memref<32x128x80xi32, #tpu.memory_space<hbm>> -> memref<1x8x80xi32, #tpu.memory_space<hbm>>
      %dma_wait3A_154 = tpu.memref_squeeze %dma_wait3A_153 : memref<1x8x80xi32, #tpu.memory_space<hbm>> -> memref<8x80xi32, #tpu.memory_space<hbm>>
      tpu.wait_dma2 semaphore(%run_scoped3A_122 : memref<!tpu.dma_semaphore, #tpu.memory_space<semaphore_mem>>) src(%dma_wait3A_154 : memref<8x80xi32, #tpu.memory_space<hbm>>) dst(%dma_wait3A_150 : memref<8x80xi32, #tpu.memory_space<vmem>>)
      tpu.yield
    }) : () -> ()
    %scan3A = arith.constant 0 : i32
    %scan3A_34 = arith.constant 0 : i32
    %scan3A_35 = arith.constant 16 : i32
    %scan3A_36 = arith.addi %scan3A_34, %scan3A_35 : i32
    %scan3A_37 = arith.constant 1 : i32
    scf.for %scan3A_122 = %scan3A_34 to %scan3A_36 step %scan3A_37  : i32 {
      %jit3A = arith.constant 2 : i32
      %eq3A = arith.constant 0 : i32
      %eq3A_123 = arith.cmpi eq, %jit3A, %eq3A : i32
      %jit3A_124 = arith.constant 1 : i32
      %select_n3A = arith.select %eq3A_123, %jit3A_124, %jit3A : i32
      %rem3A = arith.remsi %scan3A_122, %select_n3A : i32
      %ne3A = arith.constant 0 : i32
      %ne3A_125 = arith.cmpi ne, %rem3A, %ne3A : i32
      %lt3A = arith.constant 0 : i32
      %lt3A_126 = arith.cmpi slt, %rem3A, %lt3A : i32
      %lt3A_127 = arith.constant 0 : i32
      %lt3A_128 = arith.cmpi slt, %select_n3A, %lt3A_127 : i32
      %ne3A_129 = arith.xori %lt3A_126, %lt3A_128 : i1
      %and3A = arith.andi %ne3A_129, %ne3A_125 : i1
      %add3A_130 = arith.addi %rem3A, %select_n3A : i32
      %select_n3A_131 = arith.select %and3A, %add3A_130, %rem3A : i32
      %gt3A = arith.constant 0 : i32
      %gt3A_132 = arith.cmpi sgt, %scan3A_122, %gt3A : i32
      %convert_element_type3A = arith.extui %gt3A_132 : i1 to i32
      %cond3A = arith.constant 0 : i32
      %cond3A_133 = arith.cmpi ne, %convert_element_type3A, %cond3A : i32
      scf.if %cond3A_133 {
        %dma_wait3A_218 = arith.constant 0 : i32
        %dma_wait3A_219 = arith.constant 0 : i32
        %dma_wait3A_220 = tpu.memref_slice %arg8[%select_n3A_131, %dma_wait3A_218, %dma_wait3A_219] : memref<2x8x80xi32, #tpu.memory_space<vmem>> -> memref<1x8x80xi32, #tpu.memory_space<vmem>>
        %dma_wait3A_221 = tpu.memref_squeeze %dma_wait3A_220 : memref<1x8x80xi32, #tpu.memory_space<vmem>> -> memref<8x80xi32, #tpu.memory_space<vmem>>
        %dma_wait3A_222 = arith.constant 0 : i32
        %dma_wait3A_223 = arith.constant 0 : i32
        %dma_wait3A_224 = tpu.memref_slice %arg3[%add3A, %dma_wait3A_222, %dma_wait3A_223] : memref<32x128x80xi32, #tpu.memory_space<hbm>> -> memref<1x8x80xi32, #tpu.memory_space<hbm>>
        %dma_wait3A_225 = tpu.memref_squeeze %dma_wait3A_224 : memref<1x8x80xi32, #tpu.memory_space<hbm>> -> memref<8x80xi32, #tpu.memory_space<hbm>>
        %dma_wait3A_226 = arith.constant 0 : i32
        %dma_wait3A_227 = arith.constant 0 : i32
        %dma_wait3A_228 = tpu.memref_slice %arg8[%select_n3A_131, %dma_wait3A_226, %dma_wait3A_227] : memref<2x8x80xi32, #tpu.memory_space<vmem>> -> memref<1x8x80xi32, #tpu.memory_space<vmem>>
        %dma_wait3A_229 = tpu.memref_squeeze %dma_wait3A_228 : memref<1x8x80xi32, #tpu.memory_space<vmem>> -> memref<8x80xi32, #tpu.memory_space<vmem>>
        %dma_wait3A_230 = arith.constant 0 : i32
        %dma_wait3A_231 = arith.constant 0 : i32
        %dma_wait3A_232 = tpu.memref_slice %arg3[%add3A, %dma_wait3A_230, %dma_wait3A_231] : memref<32x128x80xi32, #tpu.memory_space<hbm>> -> memref<1x8x80xi32, #tpu.memory_space<hbm>>
        %dma_wait3A_233 = tpu.memref_squeeze %dma_wait3A_232 : memref<1x8x80xi32, #tpu.memory_space<hbm>> -> memref<8x80xi32, #tpu.memory_space<hbm>>
        tpu.wait_dma2 semaphore(%arg27 : memref<!tpu.dma_semaphore, #tpu.memory_space<semaphore_mem>>) src(%dma_wait3A_233 : memref<8x80xi32, #tpu.memory_space<hbm>>) dst(%dma_wait3A_229 : memref<8x80xi32, #tpu.memory_space<vmem>>)
        %dma_wait3A_234 = arith.constant 0 : i32
        %dma_wait3A_235 = arith.constant 0 : i32
        %dma_wait3A_236 = tpu.memref_slice %arg9[%select_n3A_131, %dma_wait3A_234, %dma_wait3A_235] : memref<2x8x80xi32, #tpu.memory_space<vmem>> -> memref<1x8x80xi32, #tpu.memory_space<vmem>>
        %dma_wait3A_237 = tpu.memref_squeeze %dma_wait3A_236 : memref<1x8x80xi32, #tpu.memory_space<vmem>> -> memref<8x80xi32, #tpu.memory_space<vmem>>
        %dma_wait3A_238 = arith.constant 0 : i32
        %dma_wait3A_239 = arith.constant 0 : i32
        %dma_wait3A_240 = tpu.memref_slice %arg4[%add3A, %dma_wait3A_238, %dma_wait3A_239] : memref<32x128x80xi32, #tpu.memory_space<hbm>> -> memref<1x8x80xi32, #tpu.memory_space<hbm>>
        %dma_wait3A_241 = tpu.memref_squeeze %dma_wait3A_240 : memref<1x8x80xi32, #tpu.memory_space<hbm>> -> memref<8x80xi32, #tpu.memory_space<hbm>>
        %dma_wait3A_242 = arith.constant 0 : i32
        %dma_wait3A_243 = arith.constant 0 : i32
        %dma_wait3A_244 = tpu.memref_slice %arg9[%select_n3A_131, %dma_wait3A_242, %dma_wait3A_243] : memref<2x8x80xi32, #tpu.memory_space<vmem>> -> memref<1x8x80xi32, #tpu.memory_space<vmem>>
        %dma_wait3A_245 = tpu.memref_squeeze %dma_wait3A_244 : memref<1x8x80xi32, #tpu.memory_space<vmem>> -> memref<8x80xi32, #tpu.memory_space<vmem>>
        %dma_wait3A_246 = arith.constant 0 : i32
        %dma_wait3A_247 = arith.constant 0 : i32
        %dma_wait3A_248 = tpu.memref_slice %arg4[%add3A, %dma_wait3A_246, %dma_wait3A_247] : memref<32x128x80xi32, #tpu.memory_space<hbm>> -> memref<1x8x80xi32, #tpu.memory_space<hbm>>
        %dma_wait3A_249 = tpu.memref_squeeze %dma_wait3A_248 : memref<1x8x80xi32, #tpu.memory_space<hbm>> -> memref<8x80xi32, #tpu.memory_space<hbm>>
        tpu.wait_dma2 semaphore(%arg27 : memref<!tpu.dma_semaphore, #tpu.memory_space<semaphore_mem>>) src(%dma_wait3A_249 : memref<8x80xi32, #tpu.memory_space<hbm>>) dst(%dma_wait3A_245 : memref<8x80xi32, #tpu.memory_space<vmem>>)
      } else {
      }
      %mul3A_134 = arith.constant 8 : i32
      %mul3A_135 = arith.muli %scan3A_122, %mul3A_134 : i32
      %add3A_136 = arith.constant 0 : i32
      %add3A_137 = arith.addi %mul3A_135, %add3A_136 : i32
      %sub3A = arith.constant 1 : i32
      %sub3A_138 = arith.subi %sub3A, %select_n3A_131 : i32
      %sub3A_139 = arith.constant 1 : i32
      %sub3A_140 = arith.subi %sub3A_139, %select_n3A_131 : i32
      %lt3A_141 = arith.constant 125 : i32
      %lt3A_142 = arith.cmpi slt, %add3A_137, %lt3A_141 : i32
      %convert_element_type3A_143 = arith.extui %lt3A_142 : i1 to i32
      %cond3A_144 = arith.constant 0 : i32
      %cond3A_145 = arith.cmpi ne, %convert_element_type3A_143, %cond3A_144 : i32
      scf.if %cond3A_145 {
        %ge3A = arith.constant 4 : i32
        %ge3A_218 = arith.cmpi sge, %add3A_137, %ge3A : i32
        %convert_element_type3A_219 = arith.extui %ge3A_218 : i1 to i32
        %cond3A_220 = arith.constant 0 : i32
        %cond3A_221 = arith.cmpi ne, %convert_element_type3A_219, %cond3A_220 : i32
        scf.if %cond3A_221 {
          %dma_wait3A_241 = arith.constant 0 : i32
          %dma_wait3A_242 = arith.constant 0 : i32
          %dma_wait3A_243 = tpu.memref_slice %arg9[%select_n3A_131, %dma_wait3A_241, %dma_wait3A_242] : memref<2x8x80xi32, #tpu.memory_space<vmem>> -> memref<1x1x80xi32, #tpu.memory_space<vmem>>
          %dma_wait3A_244 = tpu.memref_squeeze %dma_wait3A_243 : memref<1x1x80xi32, #tpu.memory_space<vmem>> -> memref<80xi32, #tpu.memory_space<vmem>>
          %dma_wait3A_245 = arith.constant 0 : i32
          %dma_wait3A_246 = arith.constant 0 : i32
          %dma_wait3A_247 = tpu.memref_slice %arg14[%dma_wait3A_245, %dma_wait3A_246] : memref<10240x128xf32, #tpu.memory_space<vmem_shared>> -> memref<10240x128xf32, #tpu.memory_space<vmem_shared>>
          tpu.wait_indirect_dma semaphore(%arg23 : memref<!tpu.dma_semaphore, #tpu.memory_space<semaphore_mem>>) src(%arg10 : memref<80x128xf32, #tpu.memory_space<vmem>>) dst(%dma_wait3A_247 : memref<10240x128xf32, #tpu.memory_space<vmem_shared>>)
        } else {
        }
        %mul3A_222 = arith.constant 10000 : i32
        %mul3A_223 = arith.muli %add3A, %mul3A_222 : i32
        %mul3A_224 = arith.constant 80 : i32
        %mul3A_225 = arith.muli %add3A_137, %mul3A_224 : i32
        %add3A_226 = arith.addi %mul3A_223, %mul3A_225 : i32
        %dma_start3A_227 = arith.constant 0 : i32
        %dma_start3A_228 = tpu.memref_slice %arg5[%add3A_226, %dma_start3A_227] : memref<320000x128xf32, #tpu.memory_space<hbm>> -> memref<80x128xf32, #tpu.memory_space<hbm>>
        %dma_start3A_229 = arith.constant 0 : i32
        %dma_start3A_230 = tpu.memref_slice %arg5[%add3A_226, %dma_start3A_229] : memref<320000x128xf32, #tpu.memory_space<hbm>> -> memref<80x128xf32, #tpu.memory_space<hbm>>
        tpu.enqueue_dma source(%dma_start3A_230 : memref<80x128xf32, #tpu.memory_space<hbm>>) target(%arg10 : memref<80x128xf32, #tpu.memory_space<vmem>>) target_semaphore(%arg19 : memref<!tpu.dma_semaphore, #tpu.memory_space<semaphore_mem>>)
        %ge3A_231 = arith.constant 1 : i32
        %ge3A_232 = arith.cmpi sge, %add3A_137, %ge3A_231 : i32
        %convert_element_type3A_233 = arith.extui %ge3A_232 : i1 to i32
        %cond3A_234 = arith.constant 0 : i32
        %cond3A_235 = arith.cmpi ne, %convert_element_type3A_233, %cond3A_234 : i32
        scf.if %cond3A_235 {
          %sub3A_241 = arith.constant 1 : i32
          %sub3A_242 = arith.subi %add3A_137, %sub3A_241 : i32
          %mul3A_243 = arith.constant 10000 : i32
          %mul3A_244 = arith.muli %add3A, %mul3A_243 : i32
          %mul3A_245 = arith.constant 80 : i32
          %mul3A_246 = arith.muli %sub3A_242, %mul3A_245 : i32
          %add3A_247 = arith.addi %mul3A_244, %mul3A_246 : i32
          %dma_wait3A_248 = arith.constant 0 : i32
          %dma_wait3A_249 = tpu.memref_slice %arg5[%add3A_247, %dma_wait3A_248] : memref<320000x128xf32, #tpu.memory_space<hbm>> -> memref<80x128xf32, #tpu.memory_space<hbm>>
          %dma_wait3A_250 = arith.constant 0 : i32
          %dma_wait3A_251 = tpu.memref_slice %arg5[%add3A_247, %dma_wait3A_250] : memref<320000x128xf32, #tpu.memory_space<hbm>> -> memref<80x128xf32, #tpu.memory_space<hbm>>
          tpu.wait_dma2 semaphore(%arg22 : memref<!tpu.dma_semaphore, #tpu.memory_space<semaphore_mem>>) src(%dma_wait3A_251 : memref<80x128xf32, #tpu.memory_space<hbm>>) dst(%arg13 : memref<80x128xf32, #tpu.memory_space<vmem>>)
          %dma_start3A_252 = arith.constant 7 : i32
          %dma_start3A_253 = arith.constant 0 : i32
          %dma_start3A_254 = tpu.memref_slice %arg8[%sub3A_138, %dma_start3A_252, %dma_start3A_253] : memref<2x8x80xi32, #tpu.memory_space<vmem>> -> memref<1x1x80xi32, #tpu.memory_space<vmem>>
          %dma_start3A_255 = tpu.memref_squeeze %dma_start3A_254 : memref<1x1x80xi32, #tpu.memory_space<vmem>> -> memref<80xi32, #tpu.memory_space<vmem>>
          %dma_start3A_256 = arith.constant 0 : i32
          %dma_start3A_257 = arith.constant 0 : i32
          %dma_start3A_258 = tpu.memref_slice %arg2[%dma_start3A_256, %dma_start3A_257] : memref<10000x128xf32, #tpu.memory_space<hbm>> -> memref<10000x128xf32, #tpu.memory_space<hbm>>
          tpu.enqueue_indirect_dma source(%dma_start3A_258 : memref<10000x128xf32, #tpu.memory_space<hbm>>) target(%arg13 : memref<80x128xf32, #tpu.memory_space<vmem>>) offsets(%dma_start3A_255 : memref<80xi32, #tpu.memory_space<vmem>>) semaphore(%arg18 : memref<!tpu.dma_semaphore, #tpu.memory_space<semaphore_mem>>) {add = true}
        } else {
        }
        %ge3A_236 = arith.constant 2 : i32
        %ge3A_237 = arith.cmpi sge, %add3A_137, %ge3A_236 : i32
        %convert_element_type3A_238 = arith.extui %ge3A_237 : i1 to i32
        %cond3A_239 = arith.constant 0 : i32
        %cond3A_240 = arith.cmpi ne, %convert_element_type3A_238, %cond3A_239 : i32
        scf.if %cond3A_240 {
          %dma_wait3A_241 = arith.constant 6 : i32
          %dma_wait3A_242 = arith.constant 0 : i32
          %dma_wait3A_243 = tpu.memref_slice %arg8[%sub3A_140, %dma_wait3A_241, %dma_wait3A_242] : memref<2x8x80xi32, #tpu.memory_space<vmem>> -> memref<1x1x80xi32, #tpu.memory_space<vmem>>
          %dma_wait3A_244 = tpu.memref_squeeze %dma_wait3A_243 : memref<1x1x80xi32, #tpu.memory_space<vmem>> -> memref<80xi32, #tpu.memory_space<vmem>>
          %dma_wait3A_245 = arith.constant 0 : i32
          %dma_wait3A_246 = arith.constant 0 : i32
          %dma_wait3A_247 = tpu.memref_slice %arg2[%dma_wait3A_245, %dma_wait3A_246] : memref<10000x128xf32, #tpu.memory_space<hbm>> -> memref<10000x128xf32, #tpu.memory_space<hbm>>
          tpu.wait_indirect_dma semaphore(%arg17 : memref<!tpu.dma_semaphore, #tpu.memory_space<semaphore_mem>>) src(%dma_wait3A_247 : memref<10000x128xf32, #tpu.memory_space<hbm>>) dst(%arg12 : memref<80x128xf32, #tpu.memory_space<vmem>>)
          %dma_start3A_248 = arith.constant 6 : i32
          %dma_start3A_249 = arith.constant 0 : i32
          %dma_start3A_250 = tpu.memref_slice %arg9[%sub3A_140, %dma_start3A_248, %dma_start3A_249] : memref<2x8x80xi32, #tpu.memory_space<vmem>> -> memref<1x1x80xi32, #tpu.memory_space<vmem>>
          %dma_start3A_251 = tpu.memref_squeeze %dma_start3A_250 : memref<1x1x80xi32, #tpu.memory_space<vmem>> -> memref<80xi32, #tpu.memory_space<vmem>>
          %dma_start3A_252 = arith.constant 0 : i32
          %dma_start3A_253 = arith.constant 0 : i32
          %dma_start3A_254 = tpu.memref_slice %arg14[%dma_start3A_252, %dma_start3A_253] : memref<10240x128xf32, #tpu.memory_space<vmem_shared>> -> memref<10240x128xf32, #tpu.memory_space<vmem_shared>>
          tpu.enqueue_indirect_dma source(%arg12 : memref<80x128xf32, #tpu.memory_space<vmem>>) target(%dma_start3A_254 : memref<10240x128xf32, #tpu.memory_space<vmem_shared>>) offsets(%dma_start3A_251 : memref<80xi32, #tpu.memory_space<vmem>>) semaphore(%arg25 : memref<!tpu.dma_semaphore, #tpu.memory_space<semaphore_mem>>) {add = true}
        } else {
        }
      } else {
      }
      %mul3A_146 = arith.constant 8 : i32
      %mul3A_147 = arith.muli %scan3A_122, %mul3A_146 : i32
      %add3A_148 = arith.constant 1 : i32
      %add3A_149 = arith.addi %mul3A_147, %add3A_148 : i32
      %sub3A_150 = arith.constant 1 : i32
      %sub3A_151 = arith.subi %sub3A_150, %select_n3A_131 : i32
      %lt3A_152 = arith.constant 125 : i32
      %lt3A_153 = arith.cmpi slt, %add3A_149, %lt3A_152 : i32
      %convert_element_type3A_154 = arith.extui %lt3A_153 : i1 to i32
      %cond3A_155 = arith.constant 0 : i32
      %cond3A_156 = arith.cmpi ne, %convert_element_type3A_154, %cond3A_155 : i32
      scf.if %cond3A_156 {
        %ge3A = arith.constant 4 : i32
        %ge3A_218 = arith.cmpi sge, %add3A_149, %ge3A : i32
        %convert_element_type3A_219 = arith.extui %ge3A_218 : i1 to i32
        %cond3A_220 = arith.constant 0 : i32
        %cond3A_221 = arith.cmpi ne, %convert_element_type3A_219, %cond3A_220 : i32
        scf.if %cond3A_221 {
          %dma_wait3A_241 = arith.constant 1 : i32
          %dma_wait3A_242 = arith.constant 0 : i32
          %dma_wait3A_243 = tpu.memref_slice %arg9[%select_n3A_131, %dma_wait3A_241, %dma_wait3A_242] : memref<2x8x80xi32, #tpu.memory_space<vmem>> -> memref<1x1x80xi32, #tpu.memory_space<vmem>>
          %dma_wait3A_244 = tpu.memref_squeeze %dma_wait3A_243 : memref<1x1x80xi32, #tpu.memory_space<vmem>> -> memref<80xi32, #tpu.memory_space<vmem>>
          %dma_wait3A_245 = arith.constant 0 : i32
          %dma_wait3A_246 = arith.constant 0 : i32
          %dma_wait3A_247 = tpu.memref_slice %arg14[%dma_wait3A_245, %dma_wait3A_246] : memref<10240x128xf32, #tpu.memory_space<vmem_shared>> -> memref<10240x128xf32, #tpu.memory_space<vmem_shared>>
          tpu.wait_indirect_dma semaphore(%arg24 : memref<!tpu.dma_semaphore, #tpu.memory_space<semaphore_mem>>) src(%arg11 : memref<80x128xf32, #tpu.memory_space<vmem>>) dst(%dma_wait3A_247 : memref<10240x128xf32, #tpu.memory_space<vmem_shared>>)
        } else {
        }
        %mul3A_222 = arith.constant 10000 : i32
        %mul3A_223 = arith.muli %add3A, %mul3A_222 : i32
        %mul3A_224 = arith.constant 80 : i32
        %mul3A_225 = arith.muli %add3A_149, %mul3A_224 : i32
        %add3A_226 = arith.addi %mul3A_223, %mul3A_225 : i32
        %dma_start3A_227 = arith.constant 0 : i32
        %dma_start3A_228 = tpu.memref_slice %arg5[%add3A_226, %dma_start3A_227] : memref<320000x128xf32, #tpu.memory_space<hbm>> -> memref<80x128xf32, #tpu.memory_space<hbm>>
        %dma_start3A_229 = arith.constant 0 : i32
        %dma_start3A_230 = tpu.memref_slice %arg5[%add3A_226, %dma_start3A_229] : memref<320000x128xf32, #tpu.memory_space<hbm>> -> memref<80x128xf32, #tpu.memory_space<hbm>>
        tpu.enqueue_dma source(%dma_start3A_230 : memref<80x128xf32, #tpu.memory_space<hbm>>) target(%arg11 : memref<80x128xf32, #tpu.memory_space<vmem>>) target_semaphore(%arg20 : memref<!tpu.dma_semaphore, #tpu.memory_space<semaphore_mem>>)
        %ge3A_231 = arith.constant 1 : i32
        %ge3A_232 = arith.cmpi sge, %add3A_149, %ge3A_231 : i32
        %convert_element_type3A_233 = arith.extui %ge3A_232 : i1 to i32
        %cond3A_234 = arith.constant 0 : i32
        %cond3A_235 = arith.cmpi ne, %convert_element_type3A_233, %cond3A_234 : i32
        scf.if %cond3A_235 {
          %sub3A_241 = arith.constant 1 : i32
          %sub3A_242 = arith.subi %add3A_149, %sub3A_241 : i32
          %mul3A_243 = arith.constant 10000 : i32
          %mul3A_244 = arith.muli %add3A, %mul3A_243 : i32
          %mul3A_245 = arith.constant 80 : i32
          %mul3A_246 = arith.muli %sub3A_242, %mul3A_245 : i32
          %add3A_247 = arith.addi %mul3A_244, %mul3A_246 : i32
          %dma_wait3A_248 = arith.constant 0 : i32
          %dma_wait3A_249 = tpu.memref_slice %arg5[%add3A_247, %dma_wait3A_248] : memref<320000x128xf32, #tpu.memory_space<hbm>> -> memref<80x128xf32, #tpu.memory_space<hbm>>
          %dma_wait3A_250 = arith.constant 0 : i32
          %dma_wait3A_251 = tpu.memref_slice %arg5[%add3A_247, %dma_wait3A_250] : memref<320000x128xf32, #tpu.memory_space<hbm>> -> memref<80x128xf32, #tpu.memory_space<hbm>>
          tpu.wait_dma2 semaphore(%arg19 : memref<!tpu.dma_semaphore, #tpu.memory_space<semaphore_mem>>) src(%dma_wait3A_251 : memref<80x128xf32, #tpu.memory_space<hbm>>) dst(%arg10 : memref<80x128xf32, #tpu.memory_space<vmem>>)
          %dma_start3A_252 = arith.constant 0 : i32
          %dma_start3A_253 = arith.constant 0 : i32
          %dma_start3A_254 = tpu.memref_slice %arg8[%select_n3A_131, %dma_start3A_252, %dma_start3A_253] : memref<2x8x80xi32, #tpu.memory_space<vmem>> -> memref<1x1x80xi32, #tpu.memory_space<vmem>>
          %dma_start3A_255 = tpu.memref_squeeze %dma_start3A_254 : memref<1x1x80xi32, #tpu.memory_space<vmem>> -> memref<80xi32, #tpu.memory_space<vmem>>
          %dma_start3A_256 = arith.constant 0 : i32
          %dma_start3A_257 = arith.constant 0 : i32
          %dma_start3A_258 = tpu.memref_slice %arg2[%dma_start3A_256, %dma_start3A_257] : memref<10000x128xf32, #tpu.memory_space<hbm>> -> memref<10000x128xf32, #tpu.memory_space<hbm>>
          tpu.enqueue_indirect_dma source(%dma_start3A_258 : memref<10000x128xf32, #tpu.memory_space<hbm>>) target(%arg10 : memref<80x128xf32, #tpu.memory_space<vmem>>) offsets(%dma_start3A_255 : memref<80xi32, #tpu.memory_space<vmem>>) semaphore(%arg15 : memref<!tpu.dma_semaphore, #tpu.memory_space<semaphore_mem>>) {add = true}
        } else {
        }
        %ge3A_236 = arith.constant 2 : i32
        %ge3A_237 = arith.cmpi sge, %add3A_149, %ge3A_236 : i32
        %convert_element_type3A_238 = arith.extui %ge3A_237 : i1 to i32
        %cond3A_239 = arith.constant 0 : i32
        %cond3A_240 = arith.cmpi ne, %convert_element_type3A_238, %cond3A_239 : i32
        scf.if %cond3A_240 {
          %dma_wait3A_241 = arith.constant 7 : i32
          %dma_wait3A_242 = arith.constant 0 : i32
          %dma_wait3A_243 = tpu.memref_slice %arg8[%sub3A_151, %dma_wait3A_241, %dma_wait3A_242] : memref<2x8x80xi32, #tpu.memory_space<vmem>> -> memref<1x1x80xi32, #tpu.memory_space<vmem>>
          %dma_wait3A_244 = tpu.memref_squeeze %dma_wait3A_243 : memref<1x1x80xi32, #tpu.memory_space<vmem>> -> memref<80xi32, #tpu.memory_space<vmem>>
          %dma_wait3A_245 = arith.constant 0 : i32
          %dma_wait3A_246 = arith.constant 0 : i32
          %dma_wait3A_247 = tpu.memref_slice %arg2[%dma_wait3A_245, %dma_wait3A_246] : memref<10000x128xf32, #tpu.memory_space<hbm>> -> memref<10000x128xf32, #tpu.memory_space<hbm>>
          tpu.wait_indirect_dma semaphore(%arg18 : memref<!tpu.dma_semaphore, #tpu.memory_space<semaphore_mem>>) src(%dma_wait3A_247 : memref<10000x128xf32, #tpu.memory_space<hbm>>) dst(%arg13 : memref<80x128xf32, #tpu.memory_space<vmem>>)
          %dma_start3A_248 = arith.constant 7 : i32
          %dma_start3A_249 = arith.constant 0 : i32
          %dma_start3A_250 = tpu.memref_slice %arg9[%sub3A_151, %dma_start3A_248, %dma_start3A_249] : memref<2x8x80xi32, #tpu.memory_space<vmem>> -> memref<1x1x80xi32, #tpu.memory_space<vmem>>
          %dma_start3A_251 = tpu.memref_squeeze %dma_start3A_250 : memref<1x1x80xi32, #tpu.memory_space<vmem>> -> memref<80xi32, #tpu.memory_space<vmem>>
          %dma_start3A_252 = arith.constant 0 : i32
          %dma_start3A_253 = arith.constant 0 : i32
          %dma_start3A_254 = tpu.memref_slice %arg14[%dma_start3A_252, %dma_start3A_253] : memref<10240x128xf32, #tpu.memory_space<vmem_shared>> -> memref<10240x128xf32, #tpu.memory_space<vmem_shared>>
          tpu.enqueue_indirect_dma source(%arg13 : memref<80x128xf32, #tpu.memory_space<vmem>>) target(%dma_start3A_254 : memref<10240x128xf32, #tpu.memory_space<vmem_shared>>) offsets(%dma_start3A_251 : memref<80xi32, #tpu.memory_space<vmem>>) semaphore(%arg26 : memref<!tpu.dma_semaphore, #tpu.memory_space<semaphore_mem>>) {add = true}
        } else {
        }
      } else {
      }
      %mul3A_157 = arith.constant 8 : i32
      %mul3A_158 = arith.muli %scan3A_122, %mul3A_157 : i32
      %add3A_159 = arith.constant 2 : i32
      %add3A_160 = arith.addi %mul3A_158, %add3A_159 : i32
      %lt3A_161 = arith.constant 125 : i32
      %lt3A_162 = arith.cmpi slt, %add3A_160, %lt3A_161 : i32
      %convert_element_type3A_163 = arith.extui %lt3A_162 : i1 to i32
      %cond3A_164 = arith.constant 0 : i32
      %cond3A_165 = arith.cmpi ne, %convert_element_type3A_163, %cond3A_164 : i32
      scf.if %cond3A_165 {
        %ge3A = arith.constant 4 : i32
        %ge3A_218 = arith.cmpi sge, %add3A_160, %ge3A : i32
        %convert_element_type3A_219 = arith.extui %ge3A_218 : i1 to i32
        %cond3A_220 = arith.constant 0 : i32
        %cond3A_221 = arith.cmpi ne, %convert_element_type3A_219, %cond3A_220 : i32
        scf.if %cond3A_221 {
          %dma_wait3A_241 = arith.constant 2 : i32
          %dma_wait3A_242 = arith.constant 0 : i32
          %dma_wait3A_243 = tpu.memref_slice %arg9[%select_n3A_131, %dma_wait3A_241, %dma_wait3A_242] : memref<2x8x80xi32, #tpu.memory_space<vmem>> -> memref<1x1x80xi32, #tpu.memory_space<vmem>>
          %dma_wait3A_244 = tpu.memref_squeeze %dma_wait3A_243 : memref<1x1x80xi32, #tpu.memory_space<vmem>> -> memref<80xi32, #tpu.memory_space<vmem>>
          %dma_wait3A_245 = arith.constant 0 : i32
          %dma_wait3A_246 = arith.constant 0 : i32
          %dma_wait3A_247 = tpu.memref_slice %arg14[%dma_wait3A_245, %dma_wait3A_246] : memref<10240x128xf32, #tpu.memory_space<vmem_shared>> -> memref<10240x128xf32, #tpu.memory_space<vmem_shared>>
          tpu.wait_indirect_dma semaphore(%arg25 : memref<!tpu.dma_semaphore, #tpu.memory_space<semaphore_mem>>) src(%arg12 : memref<80x128xf32, #tpu.memory_space<vmem>>) dst(%dma_wait3A_247 : memref<10240x128xf32, #tpu.memory_space<vmem_shared>>)
        } else {
        }
        %mul3A_222 = arith.constant 10000 : i32
        %mul3A_223 = arith.muli %add3A, %mul3A_222 : i32
        %mul3A_224 = arith.constant 80 : i32
        %mul3A_225 = arith.muli %add3A_160, %mul3A_224 : i32
        %add3A_226 = arith.addi %mul3A_223, %mul3A_225 : i32
        %dma_start3A_227 = arith.constant 0 : i32
        %dma_start3A_228 = tpu.memref_slice %arg5[%add3A_226, %dma_start3A_227] : memref<320000x128xf32, #tpu.memory_space<hbm>> -> memref<80x128xf32, #tpu.memory_space<hbm>>
        %dma_start3A_229 = arith.constant 0 : i32
        %dma_start3A_230 = tpu.memref_slice %arg5[%add3A_226, %dma_start3A_229] : memref<320000x128xf32, #tpu.memory_space<hbm>> -> memref<80x128xf32, #tpu.memory_space<hbm>>
        tpu.enqueue_dma source(%dma_start3A_230 : memref<80x128xf32, #tpu.memory_space<hbm>>) target(%arg12 : memref<80x128xf32, #tpu.memory_space<vmem>>) target_semaphore(%arg21 : memref<!tpu.dma_semaphore, #tpu.memory_space<semaphore_mem>>)
        %ge3A_231 = arith.constant 1 : i32
        %ge3A_232 = arith.cmpi sge, %add3A_160, %ge3A_231 : i32
        %convert_element_type3A_233 = arith.extui %ge3A_232 : i1 to i32
        %cond3A_234 = arith.constant 0 : i32
        %cond3A_235 = arith.cmpi ne, %convert_element_type3A_233, %cond3A_234 : i32
        scf.if %cond3A_235 {
          %sub3A_241 = arith.constant 1 : i32
          %sub3A_242 = arith.subi %add3A_160, %sub3A_241 : i32
          %mul3A_243 = arith.constant 10000 : i32
          %mul3A_244 = arith.muli %add3A, %mul3A_243 : i32
          %mul3A_245 = arith.constant 80 : i32
          %mul3A_246 = arith.muli %sub3A_242, %mul3A_245 : i32
          %add3A_247 = arith.addi %mul3A_244, %mul3A_246 : i32
          %dma_wait3A_248 = arith.constant 0 : i32
          %dma_wait3A_249 = tpu.memref_slice %arg5[%add3A_247, %dma_wait3A_248] : memref<320000x128xf32, #tpu.memory_space<hbm>> -> memref<80x128xf32, #tpu.memory_space<hbm>>
          %dma_wait3A_250 = arith.constant 0 : i32
          %dma_wait3A_251 = tpu.memref_slice %arg5[%add3A_247, %dma_wait3A_250] : memref<320000x128xf32, #tpu.memory_space<hbm>> -> memref<80x128xf32, #tpu.memory_space<hbm>>
          tpu.wait_dma2 semaphore(%arg20 : memref<!tpu.dma_semaphore, #tpu.memory_space<semaphore_mem>>) src(%dma_wait3A_251 : memref<80x128xf32, #tpu.memory_space<hbm>>) dst(%arg11 : memref<80x128xf32, #tpu.memory_space<vmem>>)
          %dma_start3A_252 = arith.constant 1 : i32
          %dma_start3A_253 = arith.constant 0 : i32
          %dma_start3A_254 = tpu.memref_slice %arg8[%select_n3A_131, %dma_start3A_252, %dma_start3A_253] : memref<2x8x80xi32, #tpu.memory_space<vmem>> -> memref<1x1x80xi32, #tpu.memory_space<vmem>>
          %dma_start3A_255 = tpu.memref_squeeze %dma_start3A_254 : memref<1x1x80xi32, #tpu.memory_space<vmem>> -> memref<80xi32, #tpu.memory_space<vmem>>
          %dma_start3A_256 = arith.constant 0 : i32
          %dma_start3A_257 = arith.constant 0 : i32
          %dma_start3A_258 = tpu.memref_slice %arg2[%dma_start3A_256, %dma_start3A_257] : memref<10000x128xf32, #tpu.memory_space<hbm>> -> memref<10000x128xf32, #tpu.memory_space<hbm>>
          tpu.enqueue_indirect_dma source(%dma_start3A_258 : memref<10000x128xf32, #tpu.memory_space<hbm>>) target(%arg11 : memref<80x128xf32, #tpu.memory_space<vmem>>) offsets(%dma_start3A_255 : memref<80xi32, #tpu.memory_space<vmem>>) semaphore(%arg16 : memref<!tpu.dma_semaphore, #tpu.memory_space<semaphore_mem>>) {add = true}
        } else {
        }
        %ge3A_236 = arith.constant 2 : i32
        %ge3A_237 = arith.cmpi sge, %add3A_160, %ge3A_236 : i32
        %convert_element_type3A_238 = arith.extui %ge3A_237 : i1 to i32
        %cond3A_239 = arith.constant 0 : i32
        %cond3A_240 = arith.cmpi ne, %convert_element_type3A_238, %cond3A_239 : i32
        scf.if %cond3A_240 {
          %dma_wait3A_241 = arith.constant 0 : i32
          %dma_wait3A_242 = arith.constant 0 : i32
          %dma_wait3A_243 = tpu.memref_slice %arg8[%select_n3A_131, %dma_wait3A_241, %dma_wait3A_242] : memref<2x8x80xi32, #tpu.memory_space<vmem>> -> memref<1x1x80xi32, #tpu.memory_space<vmem>>
          %dma_wait3A_244 = tpu.memref_squeeze %dma_wait3A_243 : memref<1x1x80xi32, #tpu.memory_space<vmem>> -> memref<80xi32, #tpu.memory_space<vmem>>
          %dma_wait3A_245 = arith.constant 0 : i32
          %dma_wait3A_246 = arith.constant 0 : i32
          %dma_wait3A_247 = tpu.memref_slice %arg2[%dma_wait3A_245, %dma_wait3A_246] : memref<10000x128xf32, #tpu.memory_space<hbm>> -> memref<10000x128xf32, #tpu.memory_space<hbm>>
          tpu.wait_indirect_dma semaphore(%arg15 : memref<!tpu.dma_semaphore, #tpu.memory_space<semaphore_mem>>) src(%dma_wait3A_247 : memref<10000x128xf32, #tpu.memory_space<hbm>>) dst(%arg10 : memref<80x128xf32, #tpu.memory_space<vmem>>)
          %dma_start3A_248 = arith.constant 0 : i32
          %dma_start3A_249 = arith.constant 0 : i32
          %dma_start3A_250 = tpu.memref_slice %arg9[%select_n3A_131, %dma_start3A_248, %dma_start3A_249] : memref<2x8x80xi32, #tpu.memory_space<vmem>> -> memref<1x1x80xi32, #tpu.memory_space<vmem>>
          %dma_start3A_251 = tpu.memref_squeeze %dma_start3A_250 : memref<1x1x80xi32, #tpu.memory_space<vmem>> -> memref<80xi32, #tpu.memory_space<vmem>>
          %dma_start3A_252 = arith.constant 0 : i32
          %dma_start3A_253 = arith.constant 0 : i32
          %dma_start3A_254 = tpu.memref_slice %arg14[%dma_start3A_252, %dma_start3A_253] : memref<10240x128xf32, #tpu.memory_space<vmem_shared>> -> memref<10240x128xf32, #tpu.memory_space<vmem_shared>>
          tpu.enqueue_indirect_dma source(%arg10 : memref<80x128xf32, #tpu.memory_space<vmem>>) target(%dma_start3A_254 : memref<10240x128xf32, #tpu.memory_space<vmem_shared>>) offsets(%dma_start3A_251 : memref<80xi32, #tpu.memory_space<vmem>>) semaphore(%arg23 : memref<!tpu.dma_semaphore, #tpu.memory_space<semaphore_mem>>) {add = true}
        } else {
        }
      } else {
      }
      %mul3A_166 = arith.constant 8 : i32
      %mul3A_167 = arith.muli %scan3A_122, %mul3A_166 : i32
      %add3A_168 = arith.constant 3 : i32
      %add3A_169 = arith.addi %mul3A_167, %add3A_168 : i32
      %lt3A_170 = arith.constant 125 : i32
      %lt3A_171 = arith.cmpi slt, %add3A_169, %lt3A_170 : i32
      %convert_element_type3A_172 = arith.extui %lt3A_171 : i1 to i32
      %cond3A_173 = arith.constant 0 : i32
      %cond3A_174 = arith.cmpi ne, %convert_element_type3A_172, %cond3A_173 : i32
      scf.if %cond3A_174 {
        %ge3A = arith.constant 4 : i32
        %ge3A_218 = arith.cmpi sge, %add3A_169, %ge3A : i32
        %convert_element_type3A_219 = arith.extui %ge3A_218 : i1 to i32
        %cond3A_220 = arith.constant 0 : i32
        %cond3A_221 = arith.cmpi ne, %convert_element_type3A_219, %cond3A_220 : i32
        scf.if %cond3A_221 {
          %dma_wait3A_241 = arith.constant 3 : i32
          %dma_wait3A_242 = arith.constant 0 : i32
          %dma_wait3A_243 = tpu.memref_slice %arg9[%select_n3A_131, %dma_wait3A_241, %dma_wait3A_242] : memref<2x8x80xi32, #tpu.memory_space<vmem>> -> memref<1x1x80xi32, #tpu.memory_space<vmem>>
          %dma_wait3A_244 = tpu.memref_squeeze %dma_wait3A_243 : memref<1x1x80xi32, #tpu.memory_space<vmem>> -> memref<80xi32, #tpu.memory_space<vmem>>
          %dma_wait3A_245 = arith.constant 0 : i32
          %dma_wait3A_246 = arith.constant 0 : i32
          %dma_wait3A_247 = tpu.memref_slice %arg14[%dma_wait3A_245, %dma_wait3A_246] : memref<10240x128xf32, #tpu.memory_space<vmem_shared>> -> memref<10240x128xf32, #tpu.memory_space<vmem_shared>>
          tpu.wait_indirect_dma semaphore(%arg26 : memref<!tpu.dma_semaphore, #tpu.memory_space<semaphore_mem>>) src(%arg13 : memref<80x128xf32, #tpu.memory_space<vmem>>) dst(%dma_wait3A_247 : memref<10240x128xf32, #tpu.memory_space<vmem_shared>>)
        } else {
        }
        %mul3A_222 = arith.constant 10000 : i32
        %mul3A_223 = arith.muli %add3A, %mul3A_222 : i32
        %mul3A_224 = arith.constant 80 : i32
        %mul3A_225 = arith.muli %add3A_169, %mul3A_224 : i32
        %add3A_226 = arith.addi %mul3A_223, %mul3A_225 : i32
        %dma_start3A_227 = arith.constant 0 : i32
        %dma_start3A_228 = tpu.memref_slice %arg5[%add3A_226, %dma_start3A_227] : memref<320000x128xf32, #tpu.memory_space<hbm>> -> memref<80x128xf32, #tpu.memory_space<hbm>>
        %dma_start3A_229 = arith.constant 0 : i32
        %dma_start3A_230 = tpu.memref_slice %arg5[%add3A_226, %dma_start3A_229] : memref<320000x128xf32, #tpu.memory_space<hbm>> -> memref<80x128xf32, #tpu.memory_space<hbm>>
        tpu.enqueue_dma source(%dma_start3A_230 : memref<80x128xf32, #tpu.memory_space<hbm>>) target(%arg13 : memref<80x128xf32, #tpu.memory_space<vmem>>) target_semaphore(%arg22 : memref<!tpu.dma_semaphore, #tpu.memory_space<semaphore_mem>>)
        %ge3A_231 = arith.constant 1 : i32
        %ge3A_232 = arith.cmpi sge, %add3A_169, %ge3A_231 : i32
        %convert_element_type3A_233 = arith.extui %ge3A_232 : i1 to i32
        %cond3A_234 = arith.constant 0 : i32
        %cond3A_235 = arith.cmpi ne, %convert_element_type3A_233, %cond3A_234 : i32
        scf.if %cond3A_235 {
          %sub3A_241 = arith.constant 1 : i32
          %sub3A_242 = arith.subi %add3A_169, %sub3A_241 : i32
          %mul3A_243 = arith.constant 10000 : i32
          %mul3A_244 = arith.muli %add3A, %mul3A_243 : i32
          %mul3A_245 = arith.constant 80 : i32
          %mul3A_246 = arith.muli %sub3A_242, %mul3A_245 : i32
          %add3A_247 = arith.addi %mul3A_244, %mul3A_246 : i32
          %dma_wait3A_248 = arith.constant 0 : i32
          %dma_wait3A_249 = tpu.memref_slice %arg5[%add3A_247, %dma_wait3A_248] : memref<320000x128xf32, #tpu.memory_space<hbm>> -> memref<80x128xf32, #tpu.memory_space<hbm>>
          %dma_wait3A_250 = arith.constant 0 : i32
          %dma_wait3A_251 = tpu.memref_slice %arg5[%add3A_247, %dma_wait3A_250] : memref<320000x128xf32, #tpu.memory_space<hbm>> -> memref<80x128xf32, #tpu.memory_space<hbm>>
          tpu.wait_dma2 semaphore(%arg21 : memref<!tpu.dma_semaphore, #tpu.memory_space<semaphore_mem>>) src(%dma_wait3A_251 : memref<80x128xf32, #tpu.memory_space<hbm>>) dst(%arg12 : memref<80x128xf32, #tpu.memory_space<vmem>>)
          %dma_start3A_252 = arith.constant 2 : i32
          %dma_start3A_253 = arith.constant 0 : i32
          %dma_start3A_254 = tpu.memref_slice %arg8[%select_n3A_131, %dma_start3A_252, %dma_start3A_253] : memref<2x8x80xi32, #tpu.memory_space<vmem>> -> memref<1x1x80xi32, #tpu.memory_space<vmem>>
          %dma_start3A_255 = tpu.memref_squeeze %dma_start3A_254 : memref<1x1x80xi32, #tpu.memory_space<vmem>> -> memref<80xi32, #tpu.memory_space<vmem>>
          %dma_start3A_256 = arith.constant 0 : i32
          %dma_start3A_257 = arith.constant 0 : i32
          %dma_start3A_258 = tpu.memref_slice %arg2[%dma_start3A_256, %dma_start3A_257] : memref<10000x128xf32, #tpu.memory_space<hbm>> -> memref<10000x128xf32, #tpu.memory_space<hbm>>
          tpu.enqueue_indirect_dma source(%dma_start3A_258 : memref<10000x128xf32, #tpu.memory_space<hbm>>) target(%arg12 : memref<80x128xf32, #tpu.memory_space<vmem>>) offsets(%dma_start3A_255 : memref<80xi32, #tpu.memory_space<vmem>>) semaphore(%arg17 : memref<!tpu.dma_semaphore, #tpu.memory_space<semaphore_mem>>) {add = true}
        } else {
        }
        %ge3A_236 = arith.constant 2 : i32
        %ge3A_237 = arith.cmpi sge, %add3A_169, %ge3A_236 : i32
        %convert_element_type3A_238 = arith.extui %ge3A_237 : i1 to i32
        %cond3A_239 = arith.constant 0 : i32
        %cond3A_240 = arith.cmpi ne, %convert_element_type3A_238, %cond3A_239 : i32
        scf.if %cond3A_240 {
          %dma_wait3A_241 = arith.constant 1 : i32
          %dma_wait3A_242 = arith.constant 0 : i32
          %dma_wait3A_243 = tpu.memref_slice %arg8[%select_n3A_131, %dma_wait3A_241, %dma_wait3A_242] : memref<2x8x80xi32, #tpu.memory_space<vmem>> -> memref<1x1x80xi32, #tpu.memory_space<vmem>>
          %dma_wait3A_244 = tpu.memref_squeeze %dma_wait3A_243 : memref<1x1x80xi32, #tpu.memory_space<vmem>> -> memref<80xi32, #tpu.memory_space<vmem>>
          %dma_wait3A_245 = arith.constant 0 : i32
          %dma_wait3A_246 = arith.constant 0 : i32
          %dma_wait3A_247 = tpu.memref_slice %arg2[%dma_wait3A_245, %dma_wait3A_246] : memref<10000x128xf32, #tpu.memory_space<hbm>> -> memref<10000x128xf32, #tpu.memory_space<hbm>>
          tpu.wait_indirect_dma semaphore(%arg16 : memref<!tpu.dma_semaphore, #tpu.memory_space<semaphore_mem>>) src(%dma_wait3A_247 : memref<10000x128xf32, #tpu.memory_space<hbm>>) dst(%arg11 : memref<80x128xf32, #tpu.memory_space<vmem>>)
          %dma_start3A_248 = arith.constant 1 : i32
          %dma_start3A_249 = arith.constant 0 : i32
          %dma_start3A_250 = tpu.memref_slice %arg9[%select_n3A_131, %dma_start3A_248, %dma_start3A_249] : memref<2x8x80xi32, #tpu.memory_space<vmem>> -> memref<1x1x80xi32, #tpu.memory_space<vmem>>
          %dma_start3A_251 = tpu.memref_squeeze %dma_start3A_250 : memref<1x1x80xi32, #tpu.memory_space<vmem>> -> memref<80xi32, #tpu.memory_space<vmem>>
          %dma_start3A_252 = arith.constant 0 : i32
          %dma_start3A_253 = arith.constant 0 : i32
          %dma_start3A_254 = tpu.memref_slice %arg14[%dma_start3A_252, %dma_start3A_253] : memref<10240x128xf32, #tpu.memory_space<vmem_shared>> -> memref<10240x128xf32, #tpu.memory_space<vmem_shared>>
          tpu.enqueue_indirect_dma source(%arg11 : memref<80x128xf32, #tpu.memory_space<vmem>>) target(%dma_start3A_254 : memref<10240x128xf32, #tpu.memory_space<vmem_shared>>) offsets(%dma_start3A_251 : memref<80xi32, #tpu.memory_space<vmem>>) semaphore(%arg24 : memref<!tpu.dma_semaphore, #tpu.memory_space<semaphore_mem>>) {add = true}
        } else {
        }
      } else {
      }
      %mul3A_175 = arith.constant 8 : i32
      %mul3A_176 = arith.muli %scan3A_122, %mul3A_175 : i32
      %add3A_177 = arith.constant 4 : i32
      %add3A_178 = arith.addi %mul3A_176, %add3A_177 : i32
      %lt3A_179 = arith.constant 125 : i32
      %lt3A_180 = arith.cmpi slt, %add3A_178, %lt3A_179 : i32
      %convert_element_type3A_181 = arith.extui %lt3A_180 : i1 to i32
      %cond3A_182 = arith.constant 0 : i32
      %cond3A_183 = arith.cmpi ne, %convert_element_type3A_181, %cond3A_182 : i32
      scf.if %cond3A_183 {
        %ge3A = arith.constant 4 : i32
        %ge3A_218 = arith.cmpi sge, %add3A_178, %ge3A : i32
        %convert_element_type3A_219 = arith.extui %ge3A_218 : i1 to i32
        %cond3A_220 = arith.constant 0 : i32
        %cond3A_221 = arith.cmpi ne, %convert_element_type3A_219, %cond3A_220 : i32
        scf.if %cond3A_221 {
          %dma_wait3A_241 = arith.constant 4 : i32
          %dma_wait3A_242 = arith.constant 0 : i32
          %dma_wait3A_243 = tpu.memref_slice %arg9[%select_n3A_131, %dma_wait3A_241, %dma_wait3A_242] : memref<2x8x80xi32, #tpu.memory_space<vmem>> -> memref<1x1x80xi32, #tpu.memory_space<vmem>>
          %dma_wait3A_244 = tpu.memref_squeeze %dma_wait3A_243 : memref<1x1x80xi32, #tpu.memory_space<vmem>> -> memref<80xi32, #tpu.memory_space<vmem>>
          %dma_wait3A_245 = arith.constant 0 : i32
          %dma_wait3A_246 = arith.constant 0 : i32
          %dma_wait3A_247 = tpu.memref_slice %arg14[%dma_wait3A_245, %dma_wait3A_246] : memref<10240x128xf32, #tpu.memory_space<vmem_shared>> -> memref<10240x128xf32, #tpu.memory_space<vmem_shared>>
          tpu.wait_indirect_dma semaphore(%arg23 : memref<!tpu.dma_semaphore, #tpu.memory_space<semaphore_mem>>) src(%arg10 : memref<80x128xf32, #tpu.memory_space<vmem>>) dst(%dma_wait3A_247 : memref<10240x128xf32, #tpu.memory_space<vmem_shared>>)
        } else {
        }
        %mul3A_222 = arith.constant 10000 : i32
        %mul3A_223 = arith.muli %add3A, %mul3A_222 : i32
        %mul3A_224 = arith.constant 80 : i32
        %mul3A_225 = arith.muli %add3A_178, %mul3A_224 : i32
        %add3A_226 = arith.addi %mul3A_223, %mul3A_225 : i32
        %dma_start3A_227 = arith.constant 0 : i32
        %dma_start3A_228 = tpu.memref_slice %arg5[%add3A_226, %dma_start3A_227] : memref<320000x128xf32, #tpu.memory_space<hbm>> -> memref<80x128xf32, #tpu.memory_space<hbm>>
        %dma_start3A_229 = arith.constant 0 : i32
        %dma_start3A_230 = tpu.memref_slice %arg5[%add3A_226, %dma_start3A_229] : memref<320000x128xf32, #tpu.memory_space<hbm>> -> memref<80x128xf32, #tpu.memory_space<hbm>>
        tpu.enqueue_dma source(%dma_start3A_230 : memref<80x128xf32, #tpu.memory_space<hbm>>) target(%arg10 : memref<80x128xf32, #tpu.memory_space<vmem>>) target_semaphore(%arg19 : memref<!tpu.dma_semaphore, #tpu.memory_space<semaphore_mem>>)
        %ge3A_231 = arith.constant 1 : i32
        %ge3A_232 = arith.cmpi sge, %add3A_178, %ge3A_231 : i32
        %convert_element_type3A_233 = arith.extui %ge3A_232 : i1 to i32
        %cond3A_234 = arith.constant 0 : i32
        %cond3A_235 = arith.cmpi ne, %convert_element_type3A_233, %cond3A_234 : i32
        scf.if %cond3A_235 {
          %sub3A_241 = arith.constant 1 : i32
          %sub3A_242 = arith.subi %add3A_178, %sub3A_241 : i32
          %mul3A_243 = arith.constant 10000 : i32
          %mul3A_244 = arith.muli %add3A, %mul3A_243 : i32
          %mul3A_245 = arith.constant 80 : i32
          %mul3A_246 = arith.muli %sub3A_242, %mul3A_245 : i32
          %add3A_247 = arith.addi %mul3A_244, %mul3A_246 : i32
          %dma_wait3A_248 = arith.constant 0 : i32
          %dma_wait3A_249 = tpu.memref_slice %arg5[%add3A_247, %dma_wait3A_248] : memref<320000x128xf32, #tpu.memory_space<hbm>> -> memref<80x128xf32, #tpu.memory_space<hbm>>
          %dma_wait3A_250 = arith.constant 0 : i32
          %dma_wait3A_251 = tpu.memref_slice %arg5[%add3A_247, %dma_wait3A_250] : memref<320000x128xf32, #tpu.memory_space<hbm>> -> memref<80x128xf32, #tpu.memory_space<hbm>>
          tpu.wait_dma2 semaphore(%arg22 : memref<!tpu.dma_semaphore, #tpu.memory_space<semaphore_mem>>) src(%dma_wait3A_251 : memref<80x128xf32, #tpu.memory_space<hbm>>) dst(%arg13 : memref<80x128xf32, #tpu.memory_space<vmem>>)
          %dma_start3A_252 = arith.constant 3 : i32
          %dma_start3A_253 = arith.constant 0 : i32
          %dma_start3A_254 = tpu.memref_slice %arg8[%select_n3A_131, %dma_start3A_252, %dma_start3A_253] : memref<2x8x80xi32, #tpu.memory_space<vmem>> -> memref<1x1x80xi32, #tpu.memory_space<vmem>>
          %dma_start3A_255 = tpu.memref_squeeze %dma_start3A_254 : memref<1x1x80xi32, #tpu.memory_space<vmem>> -> memref<80xi32, #tpu.memory_space<vmem>>
          %dma_start3A_256 = arith.constant 0 : i32
          %dma_start3A_257 = arith.constant 0 : i32
          %dma_start3A_258 = tpu.memref_slice %arg2[%dma_start3A_256, %dma_start3A_257] : memref<10000x128xf32, #tpu.memory_space<hbm>> -> memref<10000x128xf32, #tpu.memory_space<hbm>>
          tpu.enqueue_indirect_dma source(%dma_start3A_258 : memref<10000x128xf32, #tpu.memory_space<hbm>>) target(%arg13 : memref<80x128xf32, #tpu.memory_space<vmem>>) offsets(%dma_start3A_255 : memref<80xi32, #tpu.memory_space<vmem>>) semaphore(%arg18 : memref<!tpu.dma_semaphore, #tpu.memory_space<semaphore_mem>>) {add = true}
        } else {
        }
        %ge3A_236 = arith.constant 2 : i32
        %ge3A_237 = arith.cmpi sge, %add3A_178, %ge3A_236 : i32
        %convert_element_type3A_238 = arith.extui %ge3A_237 : i1 to i32
        %cond3A_239 = arith.constant 0 : i32
        %cond3A_240 = arith.cmpi ne, %convert_element_type3A_238, %cond3A_239 : i32
        scf.if %cond3A_240 {
          %dma_wait3A_241 = arith.constant 2 : i32
          %dma_wait3A_242 = arith.constant 0 : i32
          %dma_wait3A_243 = tpu.memref_slice %arg8[%select_n3A_131, %dma_wait3A_241, %dma_wait3A_242] : memref<2x8x80xi32, #tpu.memory_space<vmem>> -> memref<1x1x80xi32, #tpu.memory_space<vmem>>
          %dma_wait3A_244 = tpu.memref_squeeze %dma_wait3A_243 : memref<1x1x80xi32, #tpu.memory_space<vmem>> -> memref<80xi32, #tpu.memory_space<vmem>>
          %dma_wait3A_245 = arith.constant 0 : i32
          %dma_wait3A_246 = arith.constant 0 : i32
          %dma_wait3A_247 = tpu.memref_slice %arg2[%dma_wait3A_245, %dma_wait3A_246] : memref<10000x128xf32, #tpu.memory_space<hbm>> -> memref<10000x128xf32, #tpu.memory_space<hbm>>
          tpu.wait_indirect_dma semaphore(%arg17 : memref<!tpu.dma_semaphore, #tpu.memory_space<semaphore_mem>>) src(%dma_wait3A_247 : memref<10000x128xf32, #tpu.memory_space<hbm>>) dst(%arg12 : memref<80x128xf32, #tpu.memory_space<vmem>>)
          %dma_start3A_248 = arith.constant 2 : i32
          %dma_start3A_249 = arith.constant 0 : i32
          %dma_start3A_250 = tpu.memref_slice %arg9[%select_n3A_131, %dma_start3A_248, %dma_start3A_249] : memref<2x8x80xi32, #tpu.memory_space<vmem>> -> memref<1x1x80xi32, #tpu.memory_space<vmem>>
          %dma_start3A_251 = tpu.memref_squeeze %dma_start3A_250 : memref<1x1x80xi32, #tpu.memory_space<vmem>> -> memref<80xi32, #tpu.memory_space<vmem>>
          %dma_start3A_252 = arith.constant 0 : i32
          %dma_start3A_253 = arith.constant 0 : i32
          %dma_start3A_254 = tpu.memref_slice %arg14[%dma_start3A_252, %dma_start3A_253] : memref<10240x128xf32, #tpu.memory_space<vmem_shared>> -> memref<10240x128xf32, #tpu.memory_space<vmem_shared>>
          tpu.enqueue_indirect_dma source(%arg12 : memref<80x128xf32, #tpu.memory_space<vmem>>) target(%dma_start3A_254 : memref<10240x128xf32, #tpu.memory_space<vmem_shared>>) offsets(%dma_start3A_251 : memref<80xi32, #tpu.memory_space<vmem>>) semaphore(%arg25 : memref<!tpu.dma_semaphore, #tpu.memory_space<semaphore_mem>>) {add = true}
        } else {
        }
      } else {
      }
      %add3A_184 = arith.constant 1 : i32
      %add3A_185 = arith.addi %scan3A_122, %add3A_184 : i32
      %lt3A_186 = arith.constant 16 : i32
      %lt3A_187 = arith.cmpi slt, %add3A_185, %lt3A_186 : i32
      %convert_element_type3A_188 = arith.extui %lt3A_187 : i1 to i32
      %cond3A_189 = arith.constant 0 : i32
      %cond3A_190 = arith.cmpi ne, %convert_element_type3A_188, %cond3A_189 : i32
      scf.if %cond3A_190 {
        %add3A_218 = arith.constant 1 : i32
        %add3A_219 = arith.addi %scan3A_122, %add3A_218 : i32
        %mul3A_220 = arith.constant 8 : i32
        %mul3A_221 = arith.muli %add3A_219, %mul3A_220 : i32
        %sub3A_222 = arith.constant 1 : i32
        %sub3A_223 = arith.subi %sub3A_222, %select_n3A_131 : i32
        %dma_start3A_224 = arith.constant 0 : i32
        %dma_start3A_225 = arith.constant 0 : i32
        %dma_start3A_226 = tpu.memref_slice %arg8[%sub3A_223, %dma_start3A_224, %dma_start3A_225] : memref<2x8x80xi32, #tpu.memory_space<vmem>> -> memref<1x8x80xi32, #tpu.memory_space<vmem>>
        %dma_start3A_227 = tpu.memref_squeeze %dma_start3A_226 : memref<1x8x80xi32, #tpu.memory_space<vmem>> -> memref<8x80xi32, #tpu.memory_space<vmem>>
        %dma_start3A_228 = arith.constant 0 : i32
        %dma_start3A_229 = tpu.memref_slice %arg3[%add3A, %mul3A_221, %dma_start3A_228] : memref<32x128x80xi32, #tpu.memory_space<hbm>> -> memref<1x8x80xi32, #tpu.memory_space<hbm>>
        %dma_start3A_230 = tpu.memref_squeeze %dma_start3A_229 : memref<1x8x80xi32, #tpu.memory_space<hbm>> -> memref<8x80xi32, #tpu.memory_space<hbm>>
        %dma_start3A_231 = arith.constant 0 : i32
        %dma_start3A_232 = arith.constant 0 : i32
        %dma_start3A_233 = tpu.memref_slice %arg8[%sub3A_223, %dma_start3A_231, %dma_start3A_232] : memref<2x8x80xi32, #tpu.memory_space<vmem>> -> memref<1x8x80xi32, #tpu.memory_space<vmem>>
        %dma_start3A_234 = tpu.memref_squeeze %dma_start3A_233 : memref<1x8x80xi32, #tpu.memory_space<vmem>> -> memref<8x80xi32, #tpu.memory_space<vmem>>
        %dma_start3A_235 = arith.constant 0 : i32
        %dma_start3A_236 = tpu.memref_slice %arg3[%add3A, %mul3A_221, %dma_start3A_235] : memref<32x128x80xi32, #tpu.memory_space<hbm>> -> memref<1x8x80xi32, #tpu.memory_space<hbm>>
        %dma_start3A_237 = tpu.memref_squeeze %dma_start3A_236 : memref<1x8x80xi32, #tpu.memory_space<hbm>> -> memref<8x80xi32, #tpu.memory_space<hbm>>
        tpu.enqueue_dma source(%dma_start3A_237 : memref<8x80xi32, #tpu.memory_space<hbm>>) target(%dma_start3A_234 : memref<8x80xi32, #tpu.memory_space<vmem>>) target_semaphore(%arg27 : memref<!tpu.dma_semaphore, #tpu.memory_space<semaphore_mem>>)
        %add3A_238 = arith.constant 1 : i32
        %add3A_239 = arith.addi %scan3A_122, %add3A_238 : i32
        %mul3A_240 = arith.constant 8 : i32
        %mul3A_241 = arith.muli %add3A_239, %mul3A_240 : i32
        %sub3A_242 = arith.constant 1 : i32
        %sub3A_243 = arith.subi %sub3A_242, %select_n3A_131 : i32
        %dma_start3A_244 = arith.constant 0 : i32
        %dma_start3A_245 = arith.constant 0 : i32
        %dma_start3A_246 = tpu.memref_slice %arg9[%sub3A_243, %dma_start3A_244, %dma_start3A_245] : memref<2x8x80xi32, #tpu.memory_space<vmem>> -> memref<1x8x80xi32, #tpu.memory_space<vmem>>
        %dma_start3A_247 = tpu.memref_squeeze %dma_start3A_246 : memref<1x8x80xi32, #tpu.memory_space<vmem>> -> memref<8x80xi32, #tpu.memory_space<vmem>>
        %dma_start3A_248 = arith.constant 0 : i32
        %dma_start3A_249 = tpu.memref_slice %arg4[%add3A, %mul3A_241, %dma_start3A_248] : memref<32x128x80xi32, #tpu.memory_space<hbm>> -> memref<1x8x80xi32, #tpu.memory_space<hbm>>
        %dma_start3A_250 = tpu.memref_squeeze %dma_start3A_249 : memref<1x8x80xi32, #tpu.memory_space<hbm>> -> memref<8x80xi32, #tpu.memory_space<hbm>>
        %dma_start3A_251 = arith.constant 0 : i32
        %dma_start3A_252 = arith.constant 0 : i32
        %dma_start3A_253 = tpu.memref_slice %arg9[%sub3A_243, %dma_start3A_251, %dma_start3A_252] : memref<2x8x80xi32, #tpu.memory_space<vmem>> -> memref<1x8x80xi32, #tpu.memory_space<vmem>>
        %dma_start3A_254 = tpu.memref_squeeze %dma_start3A_253 : memref<1x8x80xi32, #tpu.memory_space<vmem>> -> memref<8x80xi32, #tpu.memory_space<vmem>>
        %dma_start3A_255 = arith.constant 0 : i32
        %dma_start3A_256 = tpu.memref_slice %arg4[%add3A, %mul3A_241, %dma_start3A_255] : memref<32x128x80xi32, #tpu.memory_space<hbm>> -> memref<1x8x80xi32, #tpu.memory_space<hbm>>
        %dma_start3A_257 = tpu.memref_squeeze %dma_start3A_256 : memref<1x8x80xi32, #tpu.memory_space<hbm>> -> memref<8x80xi32, #tpu.memory_space<hbm>>
        tpu.enqueue_dma source(%dma_start3A_257 : memref<8x80xi32, #tpu.memory_space<hbm>>) target(%dma_start3A_254 : memref<8x80xi32, #tpu.memory_space<vmem>>) target_semaphore(%arg27 : memref<!tpu.dma_semaphore, #tpu.memory_space<semaphore_mem>>)
      } else {
      }
      %mul3A_191 = arith.constant 8 : i32
      %mul3A_192 = arith.muli %scan3A_122, %mul3A_191 : i32
      %add3A_193 = arith.constant 5 : i32
      %add3A_194 = arith.addi %mul3A_192, %add3A_193 : i32
      %lt3A_195 = arith.constant 125 : i32
      %lt3A_196 = arith.cmpi slt, %add3A_194, %lt3A_195 : i32
      %convert_element_type3A_197 = arith.extui %lt3A_196 : i1 to i32
      %cond3A_198 = arith.constant 0 : i32
      %cond3A_199 = arith.cmpi ne, %convert_element_type3A_197, %cond3A_198 : i32
      scf.if %cond3A_199 {
        %ge3A = arith.constant 4 : i32
        %ge3A_218 = arith.cmpi sge, %add3A_194, %ge3A : i32
        %convert_element_type3A_219 = arith.extui %ge3A_218 : i1 to i32
        %cond3A_220 = arith.constant 0 : i32
        %cond3A_221 = arith.cmpi ne, %convert_element_type3A_219, %cond3A_220 : i32
        scf.if %cond3A_221 {
          %dma_wait3A_241 = arith.constant 5 : i32
          %dma_wait3A_242 = arith.constant 0 : i32
          %dma_wait3A_243 = tpu.memref_slice %arg9[%select_n3A_131, %dma_wait3A_241, %dma_wait3A_242] : memref<2x8x80xi32, #tpu.memory_space<vmem>> -> memref<1x1x80xi32, #tpu.memory_space<vmem>>
          %dma_wait3A_244 = tpu.memref_squeeze %dma_wait3A_243 : memref<1x1x80xi32, #tpu.memory_space<vmem>> -> memref<80xi32, #tpu.memory_space<vmem>>
          %dma_wait3A_245 = arith.constant 0 : i32
          %dma_wait3A_246 = arith.constant 0 : i32
          %dma_wait3A_247 = tpu.memref_slice %arg14[%dma_wait3A_245, %dma_wait3A_246] : memref<10240x128xf32, #tpu.memory_space<vmem_shared>> -> memref<10240x128xf32, #tpu.memory_space<vmem_shared>>
          tpu.wait_indirect_dma semaphore(%arg24 : memref<!tpu.dma_semaphore, #tpu.memory_space<semaphore_mem>>) src(%arg11 : memref<80x128xf32, #tpu.memory_space<vmem>>) dst(%dma_wait3A_247 : memref<10240x128xf32, #tpu.memory_space<vmem_shared>>)
        } else {
        }
        %mul3A_222 = arith.constant 10000 : i32
        %mul3A_223 = arith.muli %add3A, %mul3A_222 : i32
        %mul3A_224 = arith.constant 80 : i32
        %mul3A_225 = arith.muli %add3A_194, %mul3A_224 : i32
        %add3A_226 = arith.addi %mul3A_223, %mul3A_225 : i32
        %dma_start3A_227 = arith.constant 0 : i32
        %dma_start3A_228 = tpu.memref_slice %arg5[%add3A_226, %dma_start3A_227] : memref<320000x128xf32, #tpu.memory_space<hbm>> -> memref<80x128xf32, #tpu.memory_space<hbm>>
        %dma_start3A_229 = arith.constant 0 : i32
        %dma_start3A_230 = tpu.memref_slice %arg5[%add3A_226, %dma_start3A_229] : memref<320000x128xf32, #tpu.memory_space<hbm>> -> memref<80x128xf32, #tpu.memory_space<hbm>>
        tpu.enqueue_dma source(%dma_start3A_230 : memref<80x128xf32, #tpu.memory_space<hbm>>) target(%arg11 : memref<80x128xf32, #tpu.memory_space<vmem>>) target_semaphore(%arg20 : memref<!tpu.dma_semaphore, #tpu.memory_space<semaphore_mem>>)
        %ge3A_231 = arith.constant 1 : i32
        %ge3A_232 = arith.cmpi sge, %add3A_194, %ge3A_231 : i32
        %convert_element_type3A_233 = arith.extui %ge3A_232 : i1 to i32
        %cond3A_234 = arith.constant 0 : i32
        %cond3A_235 = arith.cmpi ne, %convert_element_type3A_233, %cond3A_234 : i32
        scf.if %cond3A_235 {
          %sub3A_241 = arith.constant 1 : i32
          %sub3A_242 = arith.subi %add3A_194, %sub3A_241 : i32
          %mul3A_243 = arith.constant 10000 : i32
          %mul3A_244 = arith.muli %add3A, %mul3A_243 : i32
          %mul3A_245 = arith.constant 80 : i32
          %mul3A_246 = arith.muli %sub3A_242, %mul3A_245 : i32
          %add3A_247 = arith.addi %mul3A_244, %mul3A_246 : i32
          %dma_wait3A_248 = arith.constant 0 : i32
          %dma_wait3A_249 = tpu.memref_slice %arg5[%add3A_247, %dma_wait3A_248] : memref<320000x128xf32, #tpu.memory_space<hbm>> -> memref<80x128xf32, #tpu.memory_space<hbm>>
          %dma_wait3A_250 = arith.constant 0 : i32
          %dma_wait3A_251 = tpu.memref_slice %arg5[%add3A_247, %dma_wait3A_250] : memref<320000x128xf32, #tpu.memory_space<hbm>> -> memref<80x128xf32, #tpu.memory_space<hbm>>
          tpu.wait_dma2 semaphore(%arg19 : memref<!tpu.dma_semaphore, #tpu.memory_space<semaphore_mem>>) src(%dma_wait3A_251 : memref<80x128xf32, #tpu.memory_space<hbm>>) dst(%arg10 : memref<80x128xf32, #tpu.memory_space<vmem>>)
          %dma_start3A_252 = arith.constant 4 : i32
          %dma_start3A_253 = arith.constant 0 : i32
          %dma_start3A_254 = tpu.memref_slice %arg8[%select_n3A_131, %dma_start3A_252, %dma_start3A_253] : memref<2x8x80xi32, #tpu.memory_space<vmem>> -> memref<1x1x80xi32, #tpu.memory_space<vmem>>
          %dma_start3A_255 = tpu.memref_squeeze %dma_start3A_254 : memref<1x1x80xi32, #tpu.memory_space<vmem>> -> memref<80xi32, #tpu.memory_space<vmem>>
          %dma_start3A_256 = arith.constant 0 : i32
          %dma_start3A_257 = arith.constant 0 : i32
          %dma_start3A_258 = tpu.memref_slice %arg2[%dma_start3A_256, %dma_start3A_257] : memref<10000x128xf32, #tpu.memory_space<hbm>> -> memref<10000x128xf32, #tpu.memory_space<hbm>>
          tpu.enqueue_indirect_dma source(%dma_start3A_258 : memref<10000x128xf32, #tpu.memory_space<hbm>>) target(%arg10 : memref<80x128xf32, #tpu.memory_space<vmem>>) offsets(%dma_start3A_255 : memref<80xi32, #tpu.memory_space<vmem>>) semaphore(%arg15 : memref<!tpu.dma_semaphore, #tpu.memory_space<semaphore_mem>>) {add = true}
        } else {
        }
        %ge3A_236 = arith.constant 2 : i32
        %ge3A_237 = arith.cmpi sge, %add3A_194, %ge3A_236 : i32
        %convert_element_type3A_238 = arith.extui %ge3A_237 : i1 to i32
        %cond3A_239 = arith.constant 0 : i32
        %cond3A_240 = arith.cmpi ne, %convert_element_type3A_238, %cond3A_239 : i32
        scf.if %cond3A_240 {
          %dma_wait3A_241 = arith.constant 3 : i32
          %dma_wait3A_242 = arith.constant 0 : i32
          %dma_wait3A_243 = tpu.memref_slice %arg8[%select_n3A_131, %dma_wait3A_241, %dma_wait3A_242] : memref<2x8x80xi32, #tpu.memory_space<vmem>> -> memref<1x1x80xi32, #tpu.memory_space<vmem>>
          %dma_wait3A_244 = tpu.memref_squeeze %dma_wait3A_243 : memref<1x1x80xi32, #tpu.memory_space<vmem>> -> memref<80xi32, #tpu.memory_space<vmem>>
          %dma_wait3A_245 = arith.constant 0 : i32
          %dma_wait3A_246 = arith.constant 0 : i32
          %dma_wait3A_247 = tpu.memref_slice %arg2[%dma_wait3A_245, %dma_wait3A_246] : memref<10000x128xf32, #tpu.memory_space<hbm>> -> memref<10000x128xf32, #tpu.memory_space<hbm>>
          tpu.wait_indirect_dma semaphore(%arg18 : memref<!tpu.dma_semaphore, #tpu.memory_space<semaphore_mem>>) src(%dma_wait3A_247 : memref<10000x128xf32, #tpu.memory_space<hbm>>) dst(%arg13 : memref<80x128xf32, #tpu.memory_space<vmem>>)
          %dma_start3A_248 = arith.constant 3 : i32
          %dma_start3A_249 = arith.constant 0 : i32
          %dma_start3A_250 = tpu.memref_slice %arg9[%select_n3A_131, %dma_start3A_248, %dma_start3A_249] : memref<2x8x80xi32, #tpu.memory_space<vmem>> -> memref<1x1x80xi32, #tpu.memory_space<vmem>>
          %dma_start3A_251 = tpu.memref_squeeze %dma_start3A_250 : memref<1x1x80xi32, #tpu.memory_space<vmem>> -> memref<80xi32, #tpu.memory_space<vmem>>
          %dma_start3A_252 = arith.constant 0 : i32
          %dma_start3A_253 = arith.constant 0 : i32
          %dma_start3A_254 = tpu.memref_slice %arg14[%dma_start3A_252, %dma_start3A_253] : memref<10240x128xf32, #tpu.memory_space<vmem_shared>> -> memref<10240x128xf32, #tpu.memory_space<vmem_shared>>
          tpu.enqueue_indirect_dma source(%arg13 : memref<80x128xf32, #tpu.memory_space<vmem>>) target(%dma_start3A_254 : memref<10240x128xf32, #tpu.memory_space<vmem_shared>>) offsets(%dma_start3A_251 : memref<80xi32, #tpu.memory_space<vmem>>) semaphore(%arg26 : memref<!tpu.dma_semaphore, #tpu.memory_space<semaphore_mem>>) {add = true}
        } else {
        }
      } else {
      }
      %mul3A_200 = arith.constant 8 : i32
      %mul3A_201 = arith.muli %scan3A_122, %mul3A_200 : i32
      %add3A_202 = arith.constant 6 : i32
      %add3A_203 = arith.addi %mul3A_201, %add3A_202 : i32
      %lt3A_204 = arith.constant 125 : i32
      %lt3A_205 = arith.cmpi slt, %add3A_203, %lt3A_204 : i32
      %convert_element_type3A_206 = arith.extui %lt3A_205 : i1 to i32
      %cond3A_207 = arith.constant 0 : i32
      %cond3A_208 = arith.cmpi ne, %convert_element_type3A_206, %cond3A_207 : i32
      scf.if %cond3A_208 {
        %ge3A = arith.constant 4 : i32
        %ge3A_218 = arith.cmpi sge, %add3A_203, %ge3A : i32
        %convert_element_type3A_219 = arith.extui %ge3A_218 : i1 to i32
        %cond3A_220 = arith.constant 0 : i32
        %cond3A_221 = arith.cmpi ne, %convert_element_type3A_219, %cond3A_220 : i32
        scf.if %cond3A_221 {
          %dma_wait3A_241 = arith.constant 6 : i32
          %dma_wait3A_242 = arith.constant 0 : i32
          %dma_wait3A_243 = tpu.memref_slice %arg9[%select_n3A_131, %dma_wait3A_241, %dma_wait3A_242] : memref<2x8x80xi32, #tpu.memory_space<vmem>> -> memref<1x1x80xi32, #tpu.memory_space<vmem>>
          %dma_wait3A_244 = tpu.memref_squeeze %dma_wait3A_243 : memref<1x1x80xi32, #tpu.memory_space<vmem>> -> memref<80xi32, #tpu.memory_space<vmem>>
          %dma_wait3A_245 = arith.constant 0 : i32
          %dma_wait3A_246 = arith.constant 0 : i32
          %dma_wait3A_247 = tpu.memref_slice %arg14[%dma_wait3A_245, %dma_wait3A_246] : memref<10240x128xf32, #tpu.memory_space<vmem_shared>> -> memref<10240x128xf32, #tpu.memory_space<vmem_shared>>
          tpu.wait_indirect_dma semaphore(%arg25 : memref<!tpu.dma_semaphore, #tpu.memory_space<semaphore_mem>>) src(%arg12 : memref<80x128xf32, #tpu.memory_space<vmem>>) dst(%dma_wait3A_247 : memref<10240x128xf32, #tpu.memory_space<vmem_shared>>)
        } else {
        }
        %mul3A_222 = arith.constant 10000 : i32
        %mul3A_223 = arith.muli %add3A, %mul3A_222 : i32
        %mul3A_224 = arith.constant 80 : i32
        %mul3A_225 = arith.muli %add3A_203, %mul3A_224 : i32
        %add3A_226 = arith.addi %mul3A_223, %mul3A_225 : i32
        %dma_start3A_227 = arith.constant 0 : i32
        %dma_start3A_228 = tpu.memref_slice %arg5[%add3A_226, %dma_start3A_227] : memref<320000x128xf32, #tpu.memory_space<hbm>> -> memref<80x128xf32, #tpu.memory_space<hbm>>
        %dma_start3A_229 = arith.constant 0 : i32
        %dma_start3A_230 = tpu.memref_slice %arg5[%add3A_226, %dma_start3A_229] : memref<320000x128xf32, #tpu.memory_space<hbm>> -> memref<80x128xf32, #tpu.memory_space<hbm>>
        tpu.enqueue_dma source(%dma_start3A_230 : memref<80x128xf32, #tpu.memory_space<hbm>>) target(%arg12 : memref<80x128xf32, #tpu.memory_space<vmem>>) target_semaphore(%arg21 : memref<!tpu.dma_semaphore, #tpu.memory_space<semaphore_mem>>)
        %ge3A_231 = arith.constant 1 : i32
        %ge3A_232 = arith.cmpi sge, %add3A_203, %ge3A_231 : i32
        %convert_element_type3A_233 = arith.extui %ge3A_232 : i1 to i32
        %cond3A_234 = arith.constant 0 : i32
        %cond3A_235 = arith.cmpi ne, %convert_element_type3A_233, %cond3A_234 : i32
        scf.if %cond3A_235 {
          %sub3A_241 = arith.constant 1 : i32
          %sub3A_242 = arith.subi %add3A_203, %sub3A_241 : i32
          %mul3A_243 = arith.constant 10000 : i32
          %mul3A_244 = arith.muli %add3A, %mul3A_243 : i32
          %mul3A_245 = arith.constant 80 : i32
          %mul3A_246 = arith.muli %sub3A_242, %mul3A_245 : i32
          %add3A_247 = arith.addi %mul3A_244, %mul3A_246 : i32
          %dma_wait3A_248 = arith.constant 0 : i32
          %dma_wait3A_249 = tpu.memref_slice %arg5[%add3A_247, %dma_wait3A_248] : memref<320000x128xf32, #tpu.memory_space<hbm>> -> memref<80x128xf32, #tpu.memory_space<hbm>>
          %dma_wait3A_250 = arith.constant 0 : i32
          %dma_wait3A_251 = tpu.memref_slice %arg5[%add3A_247, %dma_wait3A_250] : memref<320000x128xf32, #tpu.memory_space<hbm>> -> memref<80x128xf32, #tpu.memory_space<hbm>>
          tpu.wait_dma2 semaphore(%arg20 : memref<!tpu.dma_semaphore, #tpu.memory_space<semaphore_mem>>) src(%dma_wait3A_251 : memref<80x128xf32, #tpu.memory_space<hbm>>) dst(%arg11 : memref<80x128xf32, #tpu.memory_space<vmem>>)
          %dma_start3A_252 = arith.constant 5 : i32
          %dma_start3A_253 = arith.constant 0 : i32
          %dma_start3A_254 = tpu.memref_slice %arg8[%select_n3A_131, %dma_start3A_252, %dma_start3A_253] : memref<2x8x80xi32, #tpu.memory_space<vmem>> -> memref<1x1x80xi32, #tpu.memory_space<vmem>>
          %dma_start3A_255 = tpu.memref_squeeze %dma_start3A_254 : memref<1x1x80xi32, #tpu.memory_space<vmem>> -> memref<80xi32, #tpu.memory_space<vmem>>
          %dma_start3A_256 = arith.constant 0 : i32
          %dma_start3A_257 = arith.constant 0 : i32
          %dma_start3A_258 = tpu.memref_slice %arg2[%dma_start3A_256, %dma_start3A_257] : memref<10000x128xf32, #tpu.memory_space<hbm>> -> memref<10000x128xf32, #tpu.memory_space<hbm>>
          tpu.enqueue_indirect_dma source(%dma_start3A_258 : memref<10000x128xf32, #tpu.memory_space<hbm>>) target(%arg11 : memref<80x128xf32, #tpu.memory_space<vmem>>) offsets(%dma_start3A_255 : memref<80xi32, #tpu.memory_space<vmem>>) semaphore(%arg16 : memref<!tpu.dma_semaphore, #tpu.memory_space<semaphore_mem>>) {add = true}
        } else {
        }
        %ge3A_236 = arith.constant 2 : i32
        %ge3A_237 = arith.cmpi sge, %add3A_203, %ge3A_236 : i32
        %convert_element_type3A_238 = arith.extui %ge3A_237 : i1 to i32
        %cond3A_239 = arith.constant 0 : i32
        %cond3A_240 = arith.cmpi ne, %convert_element_type3A_238, %cond3A_239 : i32
        scf.if %cond3A_240 {
          %dma_wait3A_241 = arith.constant 4 : i32
          %dma_wait3A_242 = arith.constant 0 : i32
          %dma_wait3A_243 = tpu.memref_slice %arg8[%select_n3A_131, %dma_wait3A_241, %dma_wait3A_242] : memref<2x8x80xi32, #tpu.memory_space<vmem>> -> memref<1x1x80xi32, #tpu.memory_space<vmem>>
          %dma_wait3A_244 = tpu.memref_squeeze %dma_wait3A_243 : memref<1x1x80xi32, #tpu.memory_space<vmem>> -> memref<80xi32, #tpu.memory_space<vmem>>
          %dma_wait3A_245 = arith.constant 0 : i32
          %dma_wait3A_246 = arith.constant 0 : i32
          %dma_wait3A_247 = tpu.memref_slice %arg2[%dma_wait3A_245, %dma_wait3A_246] : memref<10000x128xf32, #tpu.memory_space<hbm>> -> memref<10000x128xf32, #tpu.memory_space<hbm>>
          tpu.wait_indirect_dma semaphore(%arg15 : memref<!tpu.dma_semaphore, #tpu.memory_space<semaphore_mem>>) src(%dma_wait3A_247 : memref<10000x128xf32, #tpu.memory_space<hbm>>) dst(%arg10 : memref<80x128xf32, #tpu.memory_space<vmem>>)
          %dma_start3A_248 = arith.constant 4 : i32
          %dma_start3A_249 = arith.constant 0 : i32
          %dma_start3A_250 = tpu.memref_slice %arg9[%select_n3A_131, %dma_start3A_248, %dma_start3A_249] : memref<2x8x80xi32, #tpu.memory_space<vmem>> -> memref<1x1x80xi32, #tpu.memory_space<vmem>>
          %dma_start3A_251 = tpu.memref_squeeze %dma_start3A_250 : memref<1x1x80xi32, #tpu.memory_space<vmem>> -> memref<80xi32, #tpu.memory_space<vmem>>
          %dma_start3A_252 = arith.constant 0 : i32
          %dma_start3A_253 = arith.constant 0 : i32
          %dma_start3A_254 = tpu.memref_slice %arg14[%dma_start3A_252, %dma_start3A_253] : memref<10240x128xf32, #tpu.memory_space<vmem_shared>> -> memref<10240x128xf32, #tpu.memory_space<vmem_shared>>
          tpu.enqueue_indirect_dma source(%arg10 : memref<80x128xf32, #tpu.memory_space<vmem>>) target(%dma_start3A_254 : memref<10240x128xf32, #tpu.memory_space<vmem_shared>>) offsets(%dma_start3A_251 : memref<80xi32, #tpu.memory_space<vmem>>) semaphore(%arg23 : memref<!tpu.dma_semaphore, #tpu.memory_space<semaphore_mem>>) {add = true}
        } else {
        }
      } else {
      }
      %mul3A_209 = arith.constant 8 : i32
      %mul3A_210 = arith.muli %scan3A_122, %mul3A_209 : i32
      %add3A_211 = arith.constant 7 : i32
      %add3A_212 = arith.addi %mul3A_210, %add3A_211 : i32
      %lt3A_213 = arith.constant 125 : i32
      %lt3A_214 = arith.cmpi slt, %add3A_212, %lt3A_213 : i32
      %convert_element_type3A_215 = arith.extui %lt3A_214 : i1 to i32
      %cond3A_216 = arith.constant 0 : i32
      %cond3A_217 = arith.cmpi ne, %convert_element_type3A_215, %cond3A_216 : i32
      scf.if %cond3A_217 {
        %ge3A = arith.constant 4 : i32
        %ge3A_218 = arith.cmpi sge, %add3A_212, %ge3A : i32
        %convert_element_type3A_219 = arith.extui %ge3A_218 : i1 to i32
        %cond3A_220 = arith.constant 0 : i32
        %cond3A_221 = arith.cmpi ne, %convert_element_type3A_219, %cond3A_220 : i32
        scf.if %cond3A_221 {
          %dma_wait3A_241 = arith.constant 7 : i32
          %dma_wait3A_242 = arith.constant 0 : i32
          %dma_wait3A_243 = tpu.memref_slice %arg9[%select_n3A_131, %dma_wait3A_241, %dma_wait3A_242] : memref<2x8x80xi32, #tpu.memory_space<vmem>> -> memref<1x1x80xi32, #tpu.memory_space<vmem>>
          %dma_wait3A_244 = tpu.memref_squeeze %dma_wait3A_243 : memref<1x1x80xi32, #tpu.memory_space<vmem>> -> memref<80xi32, #tpu.memory_space<vmem>>
          %dma_wait3A_245 = arith.constant 0 : i32
          %dma_wait3A_246 = arith.constant 0 : i32
          %dma_wait3A_247 = tpu.memref_slice %arg14[%dma_wait3A_245, %dma_wait3A_246] : memref<10240x128xf32, #tpu.memory_space<vmem_shared>> -> memref<10240x128xf32, #tpu.memory_space<vmem_shared>>
          tpu.wait_indirect_dma semaphore(%arg26 : memref<!tpu.dma_semaphore, #tpu.memory_space<semaphore_mem>>) src(%arg13 : memref<80x128xf32, #tpu.memory_space<vmem>>) dst(%dma_wait3A_247 : memref<10240x128xf32, #tpu.memory_space<vmem_shared>>)
        } else {
        }
        %mul3A_222 = arith.constant 10000 : i32
        %mul3A_223 = arith.muli %add3A, %mul3A_222 : i32
        %mul3A_224 = arith.constant 80 : i32
        %mul3A_225 = arith.muli %add3A_212, %mul3A_224 : i32
        %add3A_226 = arith.addi %mul3A_223, %mul3A_225 : i32
        %dma_start3A_227 = arith.constant 0 : i32
        %dma_start3A_228 = tpu.memref_slice %arg5[%add3A_226, %dma_start3A_227] : memref<320000x128xf32, #tpu.memory_space<hbm>> -> memref<80x128xf32, #tpu.memory_space<hbm>>
        %dma_start3A_229 = arith.constant 0 : i32
        %dma_start3A_230 = tpu.memref_slice %arg5[%add3A_226, %dma_start3A_229] : memref<320000x128xf32, #tpu.memory_space<hbm>> -> memref<80x128xf32, #tpu.memory_space<hbm>>
        tpu.enqueue_dma source(%dma_start3A_230 : memref<80x128xf32, #tpu.memory_space<hbm>>) target(%arg13 : memref<80x128xf32, #tpu.memory_space<vmem>>) target_semaphore(%arg22 : memref<!tpu.dma_semaphore, #tpu.memory_space<semaphore_mem>>)
        %ge3A_231 = arith.constant 1 : i32
        %ge3A_232 = arith.cmpi sge, %add3A_212, %ge3A_231 : i32
        %convert_element_type3A_233 = arith.extui %ge3A_232 : i1 to i32
        %cond3A_234 = arith.constant 0 : i32
        %cond3A_235 = arith.cmpi ne, %convert_element_type3A_233, %cond3A_234 : i32
        scf.if %cond3A_235 {
          %sub3A_241 = arith.constant 1 : i32
          %sub3A_242 = arith.subi %add3A_212, %sub3A_241 : i32
          %mul3A_243 = arith.constant 10000 : i32
          %mul3A_244 = arith.muli %add3A, %mul3A_243 : i32
          %mul3A_245 = arith.constant 80 : i32
          %mul3A_246 = arith.muli %sub3A_242, %mul3A_245 : i32
          %add3A_247 = arith.addi %mul3A_244, %mul3A_246 : i32
          %dma_wait3A_248 = arith.constant 0 : i32
          %dma_wait3A_249 = tpu.memref_slice %arg5[%add3A_247, %dma_wait3A_248] : memref<320000x128xf32, #tpu.memory_space<hbm>> -> memref<80x128xf32, #tpu.memory_space<hbm>>
          %dma_wait3A_250 = arith.constant 0 : i32
          %dma_wait3A_251 = tpu.memref_slice %arg5[%add3A_247, %dma_wait3A_250] : memref<320000x128xf32, #tpu.memory_space<hbm>> -> memref<80x128xf32, #tpu.memory_space<hbm>>
          tpu.wait_dma2 semaphore(%arg21 : memref<!tpu.dma_semaphore, #tpu.memory_space<semaphore_mem>>) src(%dma_wait3A_251 : memref<80x128xf32, #tpu.memory_space<hbm>>) dst(%arg12 : memref<80x128xf32, #tpu.memory_space<vmem>>)
          %dma_start3A_252 = arith.constant 6 : i32
          %dma_start3A_253 = arith.constant 0 : i32
          %dma_start3A_254 = tpu.memref_slice %arg8[%select_n3A_131, %dma_start3A_252, %dma_start3A_253] : memref<2x8x80xi32, #tpu.memory_space<vmem>> -> memref<1x1x80xi32, #tpu.memory_space<vmem>>
          %dma_start3A_255 = tpu.memref_squeeze %dma_start3A_254 : memref<1x1x80xi32, #tpu.memory_space<vmem>> -> memref<80xi32, #tpu.memory_space<vmem>>
          %dma_start3A_256 = arith.constant 0 : i32
          %dma_start3A_257 = arith.constant 0 : i32
          %dma_start3A_258 = tpu.memref_slice %arg2[%dma_start3A_256, %dma_start3A_257] : memref<10000x128xf32, #tpu.memory_space<hbm>> -> memref<10000x128xf32, #tpu.memory_space<hbm>>
          tpu.enqueue_indirect_dma source(%dma_start3A_258 : memref<10000x128xf32, #tpu.memory_space<hbm>>) target(%arg12 : memref<80x128xf32, #tpu.memory_space<vmem>>) offsets(%dma_start3A_255 : memref<80xi32, #tpu.memory_space<vmem>>) semaphore(%arg17 : memref<!tpu.dma_semaphore, #tpu.memory_space<semaphore_mem>>) {add = true}
        } else {
        }
        %ge3A_236 = arith.constant 2 : i32
        %ge3A_237 = arith.cmpi sge, %add3A_212, %ge3A_236 : i32
        %convert_element_type3A_238 = arith.extui %ge3A_237 : i1 to i32
        %cond3A_239 = arith.constant 0 : i32
        %cond3A_240 = arith.cmpi ne, %convert_element_type3A_238, %cond3A_239 : i32
        scf.if %cond3A_240 {
          %dma_wait3A_241 = arith.constant 5 : i32
          %dma_wait3A_242 = arith.constant 0 : i32
          %dma_wait3A_243 = tpu.memref_slice %arg8[%select_n3A_131, %dma_wait3A_241, %dma_wait3A_242] : memref<2x8x80xi32, #tpu.memory_space<vmem>> -> memref<1x1x80xi32, #tpu.memory_space<vmem>>
          %dma_wait3A_244 = tpu.memref_squeeze %dma_wait3A_243 : memref<1x1x80xi32, #tpu.memory_space<vmem>> -> memref<80xi32, #tpu.memory_space<vmem>>
          %dma_wait3A_245 = arith.constant 0 : i32
          %dma_wait3A_246 = arith.constant 0 : i32
          %dma_wait3A_247 = tpu.memref_slice %arg2[%dma_wait3A_245, %dma_wait3A_246] : memref<10000x128xf32, #tpu.memory_space<hbm>> -> memref<10000x128xf32, #tpu.memory_space<hbm>>
          tpu.wait_indirect_dma semaphore(%arg16 : memref<!tpu.dma_semaphore, #tpu.memory_space<semaphore_mem>>) src(%dma_wait3A_247 : memref<10000x128xf32, #tpu.memory_space<hbm>>) dst(%arg11 : memref<80x128xf32, #tpu.memory_space<vmem>>)
          %dma_start3A_248 = arith.constant 5 : i32
          %dma_start3A_249 = arith.constant 0 : i32
          %dma_start3A_250 = tpu.memref_slice %arg9[%select_n3A_131, %dma_start3A_248, %dma_start3A_249] : memref<2x8x80xi32, #tpu.memory_space<vmem>> -> memref<1x1x80xi32, #tpu.memory_space<vmem>>
          %dma_start3A_251 = tpu.memref_squeeze %dma_start3A_250 : memref<1x1x80xi32, #tpu.memory_space<vmem>> -> memref<80xi32, #tpu.memory_space<vmem>>
          %dma_start3A_252 = arith.constant 0 : i32
          %dma_start3A_253 = arith.constant 0 : i32
          %dma_start3A_254 = tpu.memref_slice %arg14[%dma_start3A_252, %dma_start3A_253] : memref<10240x128xf32, #tpu.memory_space<vmem_shared>> -> memref<10240x128xf32, #tpu.memory_space<vmem_shared>>
          tpu.enqueue_indirect_dma source(%arg11 : memref<80x128xf32, #tpu.memory_space<vmem>>) target(%dma_start3A_254 : memref<10240x128xf32, #tpu.memory_space<vmem_shared>>) offsets(%dma_start3A_251 : memref<80xi32, #tpu.memory_space<vmem>>) semaphore(%arg24 : memref<!tpu.dma_semaphore, #tpu.memory_space<semaphore_mem>>) {add = true}
        } else {
        }
      } else {
      }
    }
    %scan3A_38 = arith.constant 16 : i32
    %mul3A_39 = arith.constant 10000 : i32
    %mul3A_40 = arith.muli %add3A, %mul3A_39 : i32
    %add3A_41 = arith.constant 9920 : i32
    %add3A_42 = arith.addi %mul3A_40, %add3A_41 : i32
    %dma_wait3A = arith.constant 0 : i32
    %dma_wait3A_43 = tpu.memref_slice %arg5[%add3A_42, %dma_wait3A] : memref<320000x128xf32, #tpu.memory_space<hbm>> -> memref<80x128xf32, #tpu.memory_space<hbm>>
    %dma_wait3A_44 = arith.constant 0 : i32
    %dma_wait3A_45 = tpu.memref_slice %arg5[%add3A_42, %dma_wait3A_44] : memref<320000x128xf32, #tpu.memory_space<hbm>> -> memref<80x128xf32, #tpu.memory_space<hbm>>
    tpu.wait_dma2 semaphore(%arg19 : memref<!tpu.dma_semaphore, #tpu.memory_space<semaphore_mem>>) src(%dma_wait3A_45 : memref<80x128xf32, #tpu.memory_space<hbm>>) dst(%arg10 : memref<80x128xf32, #tpu.memory_space<vmem>>)
    %dma_start3A = arith.constant 1 : i32
    %dma_start3A_46 = arith.constant 4 : i32
    %dma_start3A_47 = arith.constant 0 : i32
    %dma_start3A_48 = tpu.memref_slice %arg8[%dma_start3A, %dma_start3A_46, %dma_start3A_47] : memref<2x8x80xi32, #tpu.memory_space<vmem>> -> memref<1x1x80xi32, #tpu.memory_space<vmem>>
    %dma_start3A_49 = tpu.memref_squeeze %dma_start3A_48 : memref<1x1x80xi32, #tpu.memory_space<vmem>> -> memref<80xi32, #tpu.memory_space<vmem>>
    %dma_start3A_50 = arith.constant 0 : i32
    %dma_start3A_51 = arith.constant 0 : i32
    %dma_start3A_52 = tpu.memref_slice %arg2[%dma_start3A_50, %dma_start3A_51] : memref<10000x128xf32, #tpu.memory_space<hbm>> -> memref<10000x128xf32, #tpu.memory_space<hbm>>
    tpu.enqueue_indirect_dma source(%dma_start3A_52 : memref<10000x128xf32, #tpu.memory_space<hbm>>) target(%arg10 : memref<80x128xf32, #tpu.memory_space<vmem>>) offsets(%dma_start3A_49 : memref<80xi32, #tpu.memory_space<vmem>>) semaphore(%arg15 : memref<!tpu.dma_semaphore, #tpu.memory_space<semaphore_mem>>) {add = true}
    %dma_wait3A_53 = arith.constant 1 : i32
    %dma_wait3A_54 = arith.constant 3 : i32
    %dma_wait3A_55 = arith.constant 0 : i32
    %dma_wait3A_56 = tpu.memref_slice %arg8[%dma_wait3A_53, %dma_wait3A_54, %dma_wait3A_55] : memref<2x8x80xi32, #tpu.memory_space<vmem>> -> memref<1x1x80xi32, #tpu.memory_space<vmem>>
    %dma_wait3A_57 = tpu.memref_squeeze %dma_wait3A_56 : memref<1x1x80xi32, #tpu.memory_space<vmem>> -> memref<80xi32, #tpu.memory_space<vmem>>
    %dma_wait3A_58 = arith.constant 0 : i32
    %dma_wait3A_59 = arith.constant 0 : i32
    %dma_wait3A_60 = tpu.memref_slice %arg2[%dma_wait3A_58, %dma_wait3A_59] : memref<10000x128xf32, #tpu.memory_space<hbm>> -> memref<10000x128xf32, #tpu.memory_space<hbm>>
    tpu.wait_indirect_dma semaphore(%arg18 : memref<!tpu.dma_semaphore, #tpu.memory_space<semaphore_mem>>) src(%dma_wait3A_60 : memref<10000x128xf32, #tpu.memory_space<hbm>>) dst(%arg13 : memref<80x128xf32, #tpu.memory_space<vmem>>)
    %dma_start3A_61 = arith.constant 1 : i32
    %dma_start3A_62 = arith.constant 3 : i32
    %dma_start3A_63 = arith.constant 0 : i32
    %dma_start3A_64 = tpu.memref_slice %arg9[%dma_start3A_61, %dma_start3A_62, %dma_start3A_63] : memref<2x8x80xi32, #tpu.memory_space<vmem>> -> memref<1x1x80xi32, #tpu.memory_space<vmem>>
    %dma_start3A_65 = tpu.memref_squeeze %dma_start3A_64 : memref<1x1x80xi32, #tpu.memory_space<vmem>> -> memref<80xi32, #tpu.memory_space<vmem>>
    %dma_start3A_66 = arith.constant 0 : i32
    %dma_start3A_67 = arith.constant 0 : i32
    %dma_start3A_68 = tpu.memref_slice %arg14[%dma_start3A_66, %dma_start3A_67] : memref<10240x128xf32, #tpu.memory_space<vmem_shared>> -> memref<10240x128xf32, #tpu.memory_space<vmem_shared>>
    tpu.enqueue_indirect_dma source(%arg13 : memref<80x128xf32, #tpu.memory_space<vmem>>) target(%dma_start3A_68 : memref<10240x128xf32, #tpu.memory_space<vmem_shared>>) offsets(%dma_start3A_65 : memref<80xi32, #tpu.memory_space<vmem>>) semaphore(%arg26 : memref<!tpu.dma_semaphore, #tpu.memory_space<semaphore_mem>>) {add = true}
    %dma_wait3A_69 = arith.constant 1 : i32
    %dma_wait3A_70 = arith.constant 4 : i32
    %dma_wait3A_71 = arith.constant 0 : i32
    %dma_wait3A_72 = tpu.memref_slice %arg8[%dma_wait3A_69, %dma_wait3A_70, %dma_wait3A_71] : memref<2x8x80xi32, #tpu.memory_space<vmem>> -> memref<1x1x80xi32, #tpu.memory_space<vmem>>
    %dma_wait3A_73 = tpu.memref_squeeze %dma_wait3A_72 : memref<1x1x80xi32, #tpu.memory_space<vmem>> -> memref<80xi32, #tpu.memory_space<vmem>>
    %dma_wait3A_74 = arith.constant 0 : i32
    %dma_wait3A_75 = arith.constant 0 : i32
    %dma_wait3A_76 = tpu.memref_slice %arg2[%dma_wait3A_74, %dma_wait3A_75] : memref<10000x128xf32, #tpu.memory_space<hbm>> -> memref<10000x128xf32, #tpu.memory_space<hbm>>
    tpu.wait_indirect_dma semaphore(%arg15 : memref<!tpu.dma_semaphore, #tpu.memory_space<semaphore_mem>>) src(%dma_wait3A_76 : memref<10000x128xf32, #tpu.memory_space<hbm>>) dst(%arg10 : memref<80x128xf32, #tpu.memory_space<vmem>>)
    %dma_start3A_77 = arith.constant 1 : i32
    %dma_start3A_78 = arith.constant 4 : i32
    %dma_start3A_79 = arith.constant 0 : i32
    %dma_start3A_80 = tpu.memref_slice %arg9[%dma_start3A_77, %dma_start3A_78, %dma_start3A_79] : memref<2x8x80xi32, #tpu.memory_space<vmem>> -> memref<1x1x80xi32, #tpu.memory_space<vmem>>
    %dma_start3A_81 = tpu.memref_squeeze %dma_start3A_80 : memref<1x1x80xi32, #tpu.memory_space<vmem>> -> memref<80xi32, #tpu.memory_space<vmem>>
    %dma_start3A_82 = arith.constant 0 : i32
    %dma_start3A_83 = arith.constant 0 : i32
    %dma_start3A_84 = tpu.memref_slice %arg14[%dma_start3A_82, %dma_start3A_83] : memref<10240x128xf32, #tpu.memory_space<vmem_shared>> -> memref<10240x128xf32, #tpu.memory_space<vmem_shared>>
    tpu.enqueue_indirect_dma source(%arg10 : memref<80x128xf32, #tpu.memory_space<vmem>>) target(%dma_start3A_84 : memref<10240x128xf32, #tpu.memory_space<vmem_shared>>) offsets(%dma_start3A_81 : memref<80xi32, #tpu.memory_space<vmem>>) semaphore(%arg23 : memref<!tpu.dma_semaphore, #tpu.memory_space<semaphore_mem>>) {add = true}
    %dma_wait3A_85 = arith.constant 1 : i32
    %dma_wait3A_86 = arith.constant 1 : i32
    %dma_wait3A_87 = arith.constant 0 : i32
    %dma_wait3A_88 = tpu.memref_slice %arg9[%dma_wait3A_85, %dma_wait3A_86, %dma_wait3A_87] : memref<2x8x80xi32, #tpu.memory_space<vmem>> -> memref<1x1x80xi32, #tpu.memory_space<vmem>>
    %dma_wait3A_89 = tpu.memref_squeeze %dma_wait3A_88 : memref<1x1x80xi32, #tpu.memory_space<vmem>> -> memref<80xi32, #tpu.memory_space<vmem>>
    %dma_wait3A_90 = arith.constant 0 : i32
    %dma_wait3A_91 = arith.constant 0 : i32
    %dma_wait3A_92 = tpu.memref_slice %arg14[%dma_wait3A_90, %dma_wait3A_91] : memref<10240x128xf32, #tpu.memory_space<vmem_shared>> -> memref<10240x128xf32, #tpu.memory_space<vmem_shared>>
    tpu.wait_indirect_dma semaphore(%arg24 : memref<!tpu.dma_semaphore, #tpu.memory_space<semaphore_mem>>) src(%arg11 : memref<80x128xf32, #tpu.memory_space<vmem>>) dst(%dma_wait3A_92 : memref<10240x128xf32, #tpu.memory_space<vmem_shared>>)
    %dma_wait3A_93 = arith.constant 1 : i32
    %dma_wait3A_94 = arith.constant 2 : i32
    %dma_wait3A_95 = arith.constant 0 : i32
    %dma_wait3A_96 = tpu.memref_slice %arg9[%dma_wait3A_93, %dma_wait3A_94, %dma_wait3A_95] : memref<2x8x80xi32, #tpu.memory_space<vmem>> -> memref<1x1x80xi32, #tpu.memory_space<vmem>>
    %dma_wait3A_97 = tpu.memref_squeeze %dma_wait3A_96 : memref<1x1x80xi32, #tpu.memory_space<vmem>> -> memref<80xi32, #tpu.memory_space<vmem>>
    %dma_wait3A_98 = arith.constant 0 : i32
    %dma_wait3A_99 = arith.constant 0 : i32
    %dma_wait3A_100 = tpu.memref_slice %arg14[%dma_wait3A_98, %dma_wait3A_99] : memref<10240x128xf32, #tpu.memory_space<vmem_shared>> -> memref<10240x128xf32, #tpu.memory_space<vmem_shared>>
    tpu.wait_indirect_dma semaphore(%arg25 : memref<!tpu.dma_semaphore, #tpu.memory_space<semaphore_mem>>) src(%arg12 : memref<80x128xf32, #tpu.memory_space<vmem>>) dst(%dma_wait3A_100 : memref<10240x128xf32, #tpu.memory_space<vmem_shared>>)
    %dma_wait3A_101 = arith.constant 1 : i32
    %dma_wait3A_102 = arith.constant 3 : i32
    %dma_wait3A_103 = arith.constant 0 : i32
    %dma_wait3A_104 = tpu.memref_slice %arg9[%dma_wait3A_101, %dma_wait3A_102, %dma_wait3A_103] : memref<2x8x80xi32, #tpu.memory_space<vmem>> -> memref<1x1x80xi32, #tpu.memory_space<vmem>>
    %dma_wait3A_105 = tpu.memref_squeeze %dma_wait3A_104 : memref<1x1x80xi32, #tpu.memory_space<vmem>> -> memref<80xi32, #tpu.memory_space<vmem>>
    %dma_wait3A_106 = arith.constant 0 : i32
    %dma_wait3A_107 = arith.constant 0 : i32
    %dma_wait3A_108 = tpu.memref_slice %arg14[%dma_wait3A_106, %dma_wait3A_107] : memref<10240x128xf32, #tpu.memory_space<vmem_shared>> -> memref<10240x128xf32, #tpu.memory_space<vmem_shared>>
    tpu.wait_indirect_dma semaphore(%arg26 : memref<!tpu.dma_semaphore, #tpu.memory_space<semaphore_mem>>) src(%arg13 : memref<80x128xf32, #tpu.memory_space<vmem>>) dst(%dma_wait3A_108 : memref<10240x128xf32, #tpu.memory_space<vmem_shared>>)
    %dma_wait3A_109 = arith.constant 1 : i32
    %dma_wait3A_110 = arith.constant 4 : i32
    %dma_wait3A_111 = arith.constant 0 : i32
    %dma_wait3A_112 = tpu.memref_slice %arg9[%dma_wait3A_109, %dma_wait3A_110, %dma_wait3A_111] : memref<2x8x80xi32, #tpu.memory_space<vmem>> -> memref<1x1x80xi32, #tpu.memory_space<vmem>>
    %dma_wait3A_113 = tpu.memref_squeeze %dma_wait3A_112 : memref<1x1x80xi32, #tpu.memory_space<vmem>> -> memref<80xi32, #tpu.memory_space<vmem>>
    %dma_wait3A_114 = arith.constant 0 : i32
    %dma_wait3A_115 = arith.constant 0 : i32
    %dma_wait3A_116 = tpu.memref_slice %arg14[%dma_wait3A_114, %dma_wait3A_115] : memref<10240x128xf32, #tpu.memory_space<vmem_shared>> -> memref<10240x128xf32, #tpu.memory_space<vmem_shared>>
    tpu.wait_indirect_dma semaphore(%arg23 : memref<!tpu.dma_semaphore, #tpu.memory_space<semaphore_mem>>) src(%arg10 : memref<80x128xf32, #tpu.memory_space<vmem>>) dst(%dma_wait3A_116 : memref<10240x128xf32, #tpu.memory_space<vmem_shared>>)
    %barrier3A_117 = arith.constant 0 : index
    tpu.barrier barrier_id(%barrier3A_117)
    %mul3A_118 = arith.constant 640 : i32
    %mul3A_119 = arith.muli %arg1, %mul3A_118 : i32
    %mul3A_120 = arith.constant 640 : i32
    %mul3A_121 = arith.muli %arg1, %mul3A_120 : i32
    "tpu.region"() ({
      %run_scoped3A_122 = tpu.sem_alloc : memref<!tpu.dma_semaphore, #tpu.memory_space<semaphore_mem>>
      %dma_start3A_123 = arith.constant 0 : i32
      %dma_start3A_124 = tpu.memref_slice %arg7[%arg0, %mul3A_121, %dma_start3A_123] : memref<2x10240x128xf32, #tpu.memory_space<hbm>> -> memref<1x640x128xf32, #tpu.memory_space<hbm>>
      %dma_start3A_125 = tpu.memref_squeeze %dma_start3A_124 : memref<1x640x128xf32, #tpu.memory_space<hbm>> -> memref<640x128xf32, #tpu.memory_space<hbm>>
      %dma_start3A_126 = arith.constant 0 : i32
      %dma_start3A_127 = tpu.memref_slice %arg14[%mul3A_119, %dma_start3A_126] : memref<10240x128xf32, #tpu.memory_space<vmem_shared>> -> memref<640x128xf32, #tpu.memory_space<vmem_shared>>
      tpu.enqueue_dma source(%dma_start3A_127 : memref<640x128xf32, #tpu.memory_space<vmem_shared>>) target(%dma_start3A_125 : memref<640x128xf32, #tpu.memory_space<hbm>>) target_semaphore(%run_scoped3A_122 : memref<!tpu.dma_semaphore, #tpu.memory_space<semaphore_mem>>)
      %dma_wait3A_128 = arith.constant 0 : i32
      %dma_wait3A_129 = tpu.memref_slice %arg7[%arg0, %mul3A_121, %dma_wait3A_128] : memref<2x10240x128xf32, #tpu.memory_space<hbm>> -> memref<1x640x128xf32, #tpu.memory_space<hbm>>
      %dma_wait3A_130 = tpu.memref_squeeze %dma_wait3A_129 : memref<1x640x128xf32, #tpu.memory_space<hbm>> -> memref<640x128xf32, #tpu.memory_space<hbm>>
      %dma_wait3A_131 = arith.constant 0 : i32
      %dma_wait3A_132 = tpu.memref_slice %arg14[%mul3A_119, %dma_wait3A_131] : memref<10240x128xf32, #tpu.memory_space<vmem_shared>> -> memref<640x128xf32, #tpu.memory_space<vmem_shared>>
      tpu.wait_dma2 semaphore(%run_scoped3A_122 : memref<!tpu.dma_semaphore, #tpu.memory_space<semaphore_mem>>) src(%dma_wait3A_132 : memref<640x128xf32, #tpu.memory_space<vmem_shared>>) dst(%dma_wait3A_130 : memref<640x128xf32, #tpu.memory_space<hbm>>)
      tpu.yield
    }) : () -> ()
    return
  }
}

module attributes {stable_mosaic.version = 14 : i64} {
  func.func @_mlp_body(%arg0: i32, %arg1: memref<400x128xf32, #tpu.memory_space<vmem>>, %arg2: memref<400x128xf32, #tpu.memory_space<vmem>>, %arg3: memref<400x128xf32, #tpu.memory_space<vmem>>, %arg4: memref<128x512xf32, #tpu.memory_space<vmem>>, %arg5: memref<1x512xf32, #tpu.memory_space<vmem>>, %arg6: memref<512x128xf32, #tpu.memory_space<vmem>>, %arg7: memref<1x128xf32, #tpu.memory_space<vmem>>, %arg8: memref<1x128xf32, #tpu.memory_space<vmem>>, %arg9: memref<1x128xf32, #tpu.memory_space<vmem>>, %arg10: memref<400x128xf32, #tpu.memory_space<vmem>>) attributes {dimension_semantics = [#tpu.dimension_semantics<arbitrary>], iteration_bounds = array<i64: 25>, scalar_prefetch = 0 : i64, scratch_operands = 0 : i64, tpu.core_type = #tpu.core_type<tc>, window_params = [{transform_indices = @transform_0, window_bounds = array<i64: 400, 128>}, {transform_indices = @transform_1, window_bounds = array<i64: 400, 128>}, {transform_indices = @transform_2, window_bounds = array<i64: 400, 128>}, {pipeline_mode = #tpu.pipeline_mode<synchronous>, transform_indices = @transform_3, window_bounds = array<i64: 128, 512>}, {pipeline_mode = #tpu.pipeline_mode<synchronous>, transform_indices = @transform_4, window_bounds = array<i64: 1, 512>}, {pipeline_mode = #tpu.pipeline_mode<synchronous>, transform_indices = @transform_5, window_bounds = array<i64: 512, 128>}, {pipeline_mode = #tpu.pipeline_mode<synchronous>, transform_indices = @transform_6, window_bounds = array<i64: 1, 128>}, {pipeline_mode = #tpu.pipeline_mode<synchronous>, transform_indices = @transform_7, window_bounds = array<i64: 1, 128>}, {pipeline_mode = #tpu.pipeline_mode<synchronous>, transform_indices = @transform_8, window_bounds = array<i64: 1, 128>}, {transform_indices = @transform_9, window_bounds = array<i64: 400, 128>}]} {
    %get3A = arith.constant 0 : index
    %get3A_0 = arith.constant 0 : index
    %get3A_1 = vector.load %arg1[%get3A, %get3A_0] : memref<400x128xf32, #tpu.memory_space<vmem>>, vector<400x128xf32>
    %get3A_2 = arith.constant 0 : index
    %get3A_3 = arith.constant 0 : index
    %get3A_4 = vector.load %arg2[%get3A_2, %get3A_3] : memref<400x128xf32, #tpu.memory_space<vmem>>, vector<400x128xf32>
    %add3A = arith.addf %get3A_1, %get3A_4 : vector<400x128xf32>
    %get3A_5 = arith.constant 0 : index
    %get3A_6 = arith.constant 0 : index
    %get3A_7 = vector.load %arg4[%get3A_5, %get3A_6] : memref<128x512xf32, #tpu.memory_space<vmem>>, vector<128x512xf32>
    %dot_general3A = arith.constant dense<0.000000e+00> : vector<400x512xf32>
    %dot_general3A_8 = tpu.matmul %add3A, %get3A_7, %dot_general3A {dimension_numbers = #tpu.dot_dimension_numbers<[1], [0], [0], [1], [0, 0, 1, 1], [], []>, transpose_lhs_hint = false} : vector<400x128xf32>, vector<128x512xf32>, vector<400x512xf32> -> vector<400x512xf32>
    %get3A_9 = arith.constant 0 : index
    %get3A_10 = arith.constant 0 : index
    %get3A_11 = vector.load %arg5[%get3A_9, %get3A_10] : memref<1x512xf32, #tpu.memory_space<vmem>>, vector<1x512xf32>
    %add3A_12 = vector.broadcast %get3A_11 : vector<1x512xf32> to vector<400x512xf32>
    %add3A_13 = arith.addf %dot_general3A_8, %add3A_12 : vector<400x512xf32>
    %max3A = arith.constant 0.000000e+00 : f32
    %max3A_14 = vector.broadcast %max3A : f32 to vector<400x512xf32>
    %max3A_15 = arith.maximumf %add3A_13, %max3A_14 : vector<400x512xf32>
    %get3A_16 = arith.constant 0 : index
    %get3A_17 = arith.constant 0 : index
    %get3A_18 = vector.load %arg6[%get3A_16, %get3A_17] : memref<512x128xf32, #tpu.memory_space<vmem>>, vector<512x128xf32>
    %dot_general3A_19 = arith.constant dense<0.000000e+00> : vector<400x128xf32>
    %dot_general3A_20 = tpu.matmul %max3A_15, %get3A_18, %dot_general3A_19 {dimension_numbers = #tpu.dot_dimension_numbers<[1], [0], [0], [1], [0, 0, 1, 1], [], []>, transpose_lhs_hint = false} : vector<400x512xf32>, vector<512x128xf32>, vector<400x128xf32> -> vector<400x128xf32>
    %get3A_21 = arith.constant 0 : index
    %get3A_22 = arith.constant 0 : index
    %get3A_23 = vector.load %arg7[%get3A_21, %get3A_22] : memref<1x128xf32, #tpu.memory_space<vmem>>, vector<1x128xf32>
    %add3A_24 = vector.broadcast %get3A_23 : vector<1x128xf32> to vector<400x128xf32>
    %add3A_25 = arith.addf %dot_general3A_20, %add3A_24 : vector<400x128xf32>
    %get3A_26 = arith.constant 0 : index
    %get3A_27 = arith.constant 0 : index
    %get3A_28 = vector.load %arg3[%get3A_26, %get3A_27] : memref<400x128xf32, #tpu.memory_space<vmem>>, vector<400x128xf32>
    %add3A_29 = arith.addf %add3A_25, %get3A_28 : vector<400x128xf32>
    %reduce_sum3A = arith.constant dense<0.000000e+00> : vector<400xf32>
    %reduce_sum3A_30 = vector.multi_reduction <add>, %add3A_29, %reduce_sum3A [1] : vector<400x128xf32> to vector<400xf32>
    %broadcast_in_dim3A = vector.shape_cast %reduce_sum3A_30 : vector<400xf32> to vector<400x1xf32>
    %div3A = arith.constant 1.280000e+02 : f32
    %div3A_31 = vector.broadcast %div3A : f32 to vector<400x1xf32>
    %div3A_32 = arith.divf %broadcast_in_dim3A, %div3A_31 : vector<400x1xf32>
    %sub3A = vector.broadcast %div3A_32 : vector<400x1xf32> to vector<400x128xf32>
    %sub3A_33 = arith.subf %add3A_29, %sub3A : vector<400x128xf32>
    %mul3A = arith.mulf %sub3A_33, %sub3A_33 : vector<400x128xf32>
    %reduce_sum3A_34 = arith.constant dense<0.000000e+00> : vector<400xf32>
    %reduce_sum3A_35 = vector.multi_reduction <add>, %mul3A, %reduce_sum3A_34 [1] : vector<400x128xf32> to vector<400xf32>
    %broadcast_in_dim3A_36 = vector.shape_cast %reduce_sum3A_35 : vector<400xf32> to vector<400x1xf32>
    %div3A_37 = arith.constant 1.280000e+02 : f32
    %div3A_38 = vector.broadcast %div3A_37 : f32 to vector<400x1xf32>
    %div3A_39 = arith.divf %broadcast_in_dim3A_36, %div3A_38 : vector<400x1xf32>
    %add3A_40 = arith.constant 9.99999974E-6 : f32
    %add3A_41 = vector.broadcast %add3A_40 : f32 to vector<400x1xf32>
    %add3A_42 = arith.addf %div3A_39, %add3A_41 : vector<400x1xf32>
    %rsqrt3A = math.rsqrt %add3A_42 : vector<400x1xf32>
    %mul3A_43 = vector.broadcast %rsqrt3A : vector<400x1xf32> to vector<400x128xf32>
    %mul3A_44 = arith.mulf %sub3A_33, %mul3A_43 : vector<400x128xf32>
    %get3A_45 = arith.constant 0 : index
    %get3A_46 = arith.constant 0 : index
    %get3A_47 = vector.load %arg8[%get3A_45, %get3A_46] : memref<1x128xf32, #tpu.memory_space<vmem>>, vector<1x128xf32>
    %mul3A_48 = vector.broadcast %get3A_47 : vector<1x128xf32> to vector<400x128xf32>
    %mul3A_49 = arith.mulf %mul3A_44, %mul3A_48 : vector<400x128xf32>
    %get3A_50 = arith.constant 0 : index
    %get3A_51 = arith.constant 0 : index
    %get3A_52 = vector.load %arg9[%get3A_50, %get3A_51] : memref<1x128xf32, #tpu.memory_space<vmem>>, vector<1x128xf32>
    %add3A_53 = vector.broadcast %get3A_52 : vector<1x128xf32> to vector<400x128xf32>
    %add3A_54 = arith.addf %mul3A_49, %add3A_53 : vector<400x128xf32>
    %swap3A = arith.constant 0 : index
    %swap3A_55 = arith.constant 0 : index
    %swap3A_56 = vector.load %arg10[%swap3A, %swap3A_55] : memref<400x128xf32, #tpu.memory_space<vmem>>, vector<400x128xf32>
    tpu.vector_store %arg10[%swap3A, %swap3A_55], %add3A_54 {strides = array<i32>} : memref<400x128xf32, #tpu.memory_space<vmem>>, vector<400x128xf32>,
    return
  }
  func.func @transform_0(%arg0: i32) -> (i32, i32) {
    %c0_i32 = arith.constant 0 : i32
    %c0_i32_0 = arith.constant 0 : i32
    return %arg0, %c0_i32 : i32, i32
  }
  func.func @transform_1(%arg0: i32) -> (i32, i32) {
    %c0_i32 = arith.constant 0 : i32
    %c0_i32_0 = arith.constant 0 : i32
    return %arg0, %c0_i32 : i32, i32
  }
  func.func @transform_2(%arg0: i32) -> (i32, i32) {
    %c0_i32 = arith.constant 0 : i32
    %c0_i32_0 = arith.constant 0 : i32
    return %arg0, %c0_i32 : i32, i32
  }
  func.func @transform_3(%arg0: i32) -> (i32, i32) {
    %c0_i32 = arith.constant 0 : i32
    %c0_i32_0 = arith.constant 0 : i32
    %c0_i32_1 = arith.constant 0 : i32
    return %c0_i32, %c0_i32_0 : i32, i32
  }
  func.func @transform_4(%arg0: i32) -> (i32, i32) {
    %c0_i32 = arith.constant 0 : i32
    %c0_i32_0 = arith.constant 0 : i32
    %c0_i32_1 = arith.constant 0 : i32
    return %c0_i32, %c0_i32_0 : i32, i32
  }
  func.func @transform_5(%arg0: i32) -> (i32, i32) {
    %c0_i32 = arith.constant 0 : i32
    %c0_i32_0 = arith.constant 0 : i32
    %c0_i32_1 = arith.constant 0 : i32
    return %c0_i32, %c0_i32_0 : i32, i32
  }
  func.func @transform_6(%arg0: i32) -> (i32, i32) {
    %c0_i32 = arith.constant 0 : i32
    %c0_i32_0 = arith.constant 0 : i32
    %c0_i32_1 = arith.constant 0 : i32
    return %c0_i32, %c0_i32_0 : i32, i32
  }
  func.func @transform_7(%arg0: i32) -> (i32, i32) {
    %c0_i32 = arith.constant 0 : i32
    %c0_i32_0 = arith.constant 0 : i32
    %c0_i32_1 = arith.constant 0 : i32
    return %c0_i32, %c0_i32_0 : i32, i32
  }
  func.func @transform_8(%arg0: i32) -> (i32, i32) {
    %c0_i32 = arith.constant 0 : i32
    %c0_i32_0 = arith.constant 0 : i32
    %c0_i32_1 = arith.constant 0 : i32
    return %c0_i32, %c0_i32_0 : i32, i32
  }
  func.func @transform_9(%arg0: i32) -> (i32, i32) {
    %c0_i32 = arith.constant 0 : i32
    %c0_i32_0 = arith.constant 0 : i32
    return %arg0, %c0_i32 : i32, i32
  }
}

</mosaic_0001>

<sc_bundles>
// kernel: kernel.4.cloned.1.call-start
scs
__scs_entry_jumppad:
0x0: {  	(pc) =	sbr.rel $0x88, $3  }
0x1: {  	(tag) =	ssettag $0x0;
	lr =	simm.s32 $0x1  }
0x2: {  	[smem:$0x3F98] =	sst lr;
	_ =	strace $0xD0000000  }
0x3: {  	_ = 	snop  }
0x4: {  	_ = 	snop  }
0x5: {  	_ = 	snop  }
0x6: {  	_ = 	snop  }
0x7: {  	_ = 	snop  }
__scs_overlays_trampoline_lowered:
0x8: {  	[smem:$0x3FA7] =	sst s0  }
0x9: {  	[smem:$0x3FA8] =	sst s1  }
0xa: {  	[smem:$0x3FA9] =	sst s2  }
0xb: {  	[smem:$0x3FAA] =	sst s3  }
0xc: {  	[smem:$0x3FAB] =	sst s4  }
0xd: {  	[smem:$0x3FAC] =	sst s5  }
0xe: {  	[smem:$0x3FAD] =	sst s6  }
0xf: {  	[smem:$0x3FAE] =	sst s7  }
0x10: {  	[smem:$0x3FAF] =	sst s8  }
0x11: {  	[smem:$0x3FB0] =	sst s9;
	s0 =	simm.s32 @!p0 $0x0  }
0x12: {  	s1 =	sld [smem:$0x3F96];
	s0 =	simm.s32 @p0 $0x1  }
0x13: {  	[smem:$0x3FB1] =	sst s0;
	s0 =	simm.s32 @!p1 $0x0  }
0x14: {  	s2 =	sld [smem:$0x3F95];
	s0 =	simm.s32 @p1 $0x1  }
0x15: {  	[smem:$0x3FB2] =	sst s0;
	s0 =	simm.s32 @!p2 $0x0  }
0x16: {  	s3 =	sld [smem:$0x3FDB];
	s0 =	simm.s32 @p2 $0x1  }
0x17: {  	s4 =	simm.s32 $0x1BF5;
	[smem:$0x3FB4] =	sst s0  }
0x18: {  	s0 =	sld [smem:$0x3F97];
	_ =	swait.ge [sflag:s4], $0x0  }
0x19: {  	s7 =	sld [smem:$0x3F98]  }
0x1a: {  	s8 =	sadd.s32 $0xFFFFE003, lr  }
0x1b: {  	s9 =	sadd.s32 $0xFFFFFEF7, lr;
	s5 =	simm.s32 $0xFFFFFFFF;
	p2 =	slt.u32 s8, $0xFFFFF086  }
0x1c: {  	p1 =	slt.u32 s9, $0xF7A;
	s5 =	simm.s32 @!p2 $0x0  }
0x1d: {  	s5 =	simm.s32 @p1 $0x1;
	p0 =	seq.s32 s7, s2  }
0x1e: {  	s7 =	smul.u32 @!p0 $0xF7A, s2;
	p2 =	seq.s32 @!p0 s5, $0x0  }
0x1f: {  	s9 =	smul.u32 $0xF7A, s1;
	s8 =	simm.s32 @!p0 $0x1BF5;
	p2 =	por !p2, p0  }
0x20: {  	[sflag:s8] =	ssyncset.s32 @!p0 $0xFFFFF086;
	s6 =	sadd.s32 @!p0 s3, s7;
	s7 =	simm.s32 @!p0 $0x108  }
0x21: {  	s3 =	sadd.s32 s3, s9;
	s6 =	sadd.s32 @!p0 $0x88, s6;
	s7 =	simm.s32 @p2 $0x1082  }
0x22: {  	[simem:s7], [sflag:s8] =	dma.local @!p0 [hbm:s6], $0xF7A  }
0x23: {  	s9 =	sor.u32 $0xD0000000, s2;
	s6 =	simm.s32 $0x108;
	_ =	swait.ge @!p0 [sflag:s8], $0x0  }
0x24: {  	s3 =	sadd.s32 $0x88, s3;
	s6 =	simm.s32 @!p1 $0x1082;
	[sflag:s4] =	ssyncset.s32 $0xFFFFF086  }
0x25: {  	[simem:s6], [sflag:s4] =	dma.local [hbm:s3], $0xF7A  }
0x26: {  	[smem:$0x3F98] =	sst s1;
	(tag) =	ssettag s2;
	_ =	strace s9  }
0x27: {  	s1 =	sld [smem:$0x3FA8]  }
0x28: {  	s2 =	sld [smem:$0x3FA9]  }
0x29: {  	s4 =	sld [smem:$0x3FAB]  }
0x2a: {  	p0 =	seq.s32 s5, $0x0;
	s5 =	sld [smem:$0x3FAC]  }
0x2b: {  	s6 =	sld [smem:$0x3FAD]  }
0x2c: {  	s7 =	sld [smem:$0x3FAE]  }
0x2d: {  	s3 =	simm.s32 $0x108;
	s8 =	sld [smem:$0x3FAF]  }
0x2e: {  	s3 =	simm.s32 @!p0 $0x1082;
	s9 =	sld [smem:$0x3FB0]  }
0x2f: {  	lr =	sadd.s32 s0, s3;
	s0 =	sld [smem:$0x3FA7]  }
0x30: {  	s3 =	sld [smem:$0x3FAA]  }
0x31: {  	[smem:$0x3FB3] =	sst s10  }
0x32: {  	s10 =	sld [smem:$0x3FB1];
	_ =	sdelay $0x3  }
0x33: {  	p0 =	seq.s32 s10, $0x1;
	s10 =	sld [smem:$0x3FB3];
	_ =	sdelay $0x3  }
0x34: {  	[smem:$0x3FB3] =	sst s10  }
0x35: {  	s10 =	sld [smem:$0x3FB2];
	_ =	sdelay $0x3  }
0x36: {  	p1 =	seq.s32 s10, $0x1;
	s10 =	sld [smem:$0x3FB3];
	_ =	sdelay $0x3  }
0x37: {  	[smem:$0x3FB3] =	sst s10  }
0x38: {  	s10 =	sld [smem:$0x3FB4]  }
0x39: {  	_ = 	snop;
	(pc) =	sbr.ind lr, $3  }
0x3a: {  	_ = 	snop  }
0x3b: {  	_ = 	snop  }
0x3c: {  	p2 =	seq.s32 s10, $0x1;
	s10 =	sld [smem:$0x3FB3]  }
0x3d: {  	_ =	shalt  }
0x3e: {  	_ =	shalt  }
0x3f: {  	_ =	shalt  }
0x40: {  	_ =	shalt  }
0x41: {  	_ =	shalt  }
0x42: {  	_ =	shalt  }
0x43: {  	_ =	shalt  }
0x44: {  	_ =	shalt  }
0x45: {  	_ =	shalt  }
0x46: {  	_ =	shalt  }
0x47: {  	_ =	shalt  }
0x48: {  	_ =	shalt  }
0x49: {  	_ =	shalt  }
0x4a: {  	_ =	shalt  }
0x4b: {  	_ =	shalt  }
0x4c: {  	_ =	shalt  }
0x4d: {  	_ =	shalt  }
0x4e: {  	_ =	shalt  }
0x4f: {  	_ =	shalt  }
0x50: {  	_ =	shalt  }
0x51: {  	_ =	shalt  }
0x52: {  	_ =	shalt  }
0x53: {  	_ =	shalt  }
0x54: {  	_ =	shalt  }
0x55: {  	_ =	shalt  }
0x56: {  	_ =	shalt  }
0x57: {  	_ =	shalt  }
0x58: {  	_ =	shalt  }
0x59: {  	_ =	shalt  }
0x5a: {  	_ =	shalt  }
0x5b: {  	_ =	shalt  }
0x5c: {  	_ =	shalt  }
0x5d: {  	_ =	shalt  }
0x5e: {  	_ =	shalt  }
0x5f: {  	_ =	shalt  }
0x60: {  	_ =	shalt  }
0x61: {  	_ =	shalt  }
0x62: {  	_ =	shalt  }
0x63: {  	_ =	shalt  }
0x64: {  	_ =	shalt  }
0x65: {  	_ =	shalt  }
0x66: {  	_ =	shalt  }
0x67: {  	_ =	shalt  }
0x68: {  	_ =	shalt  }
0x69: {  	_ =	shalt  }
0x6a: {  	_ =	shalt  }
0x6b: {  	_ =	shalt  }
0x6c: {  	_ =	shalt  }
0x6d: {  	_ =	shalt  }
0x6e: {  	_ =	shalt  }
0x6f: {  	_ =	shalt  }
0x70: {  	_ =	shalt  }
0x71: {  	_ =	shalt  }
0x72: {  	_ =	shalt  }
0x73: {  	_ =	shalt  }
0x74: {  	_ =	shalt  }
0x75: {  	_ =	shalt  }
0x76: {  	_ =	shalt  }
0x77: {  	_ =	shalt  }
0x78: {  	_ =	shalt  }
0x79: {  	_ =	shalt  }
0x7a: {  	_ =	shalt  }
0x7b: {  	_ =	shalt  }
0x7c: {  	_ =	shalt  }
0x7d: {  	_ =	shalt  }
0x7e: {  	_ =	shalt  }
0x7f: {  	_ =	shalt  }
0x80: {  	_ =	shalt  }
0x81: {  	_ =	shalt  }
0x82: {  	_ =	shalt  }
0x83: {  	_ =	shalt  }
0x84: {  	_ =	shalt  }
0x85: {  	_ =	shalt  }
0x86: {  	_ =	shalt  }
0x87: {  	_ =	shalt  }
.Lfunc_end0:
.L_simem_size_0:
called_computation_lowered:
.L_overlay_start_0:
0x88: {  	s2 =	sld [smem:$0x3FD9]  }
0x89: {  	s3 =	sld [smem:$0x3FFE];
	_ =	sdelay $0x1  }
0x8a: {  	s1 =	srdreg.scid  }
0x8b: {  	s0 =	sand.u32 $0x1, s1  }
0x8c: {  	s17 =	sshll.u32 s0, $0xA;
	s2 =	sadd.s32 s3, s2  }
0x8d: {  	s2 =	sadd.s32 s2, s17  }
0x8e: {  	[smem:$0x3FBF] =	sst s2  }
0x8f: {  	_ = 	snop  }
0x90: {  	s2 =	sld [smem:$0x3FC9]  }
0x91: {  	s18 =	sld [smem:$0x3FC7]  }
0x92: {  	s4 =	sld [smem:$0x3FD0];
	(tm) =	ssettm $0x1  }
0x93: {  	s5 =	sld [smem:$0x3FFB];
	_ =	sdelay $0x3  }
0x94: {  	_ =	strace s5  }
0x95: {  	s5 =	sld [smem:$0x3FFC];
	_ =	sdelay $0x3  }
0x96: {  	_ =	strace s5  }
0x97: {  	s5 =	sld [smem:$0x3FFD];
	_ =	sdelay $0x3  }
0x98: {  	_ =	strace s5  }
0x99: {  	_ =	strace $0x8FFFFFFF  }
0x9a: {  	s19 =	sld [smem:$0x3FDB];
	_ =	sdelay $0x1  }
0x9b: {  	s6 =	simm.s32 $_scs_section_size  }
0x9c: {  	s7 =	simm.s32 $_size__tile_overlayer_lowered;
	s8 =	simm.s32 $_tile_overlayer_lowered  }
0x9d: {  	s22 =	simm.s32 $0x1BFF;
	s21 =	sshll.u32 s8, $0x1;
	s5 =	sadd.s32 s6, s19  }
0x9e: {  	s9 =	simm.s32 $0x0;
	s20 =	sshll.u32 s7, $0x1;
	s7 =	sadd.s32 s21, s5  }
0x9f: {  	[timem:s9], [sflag:s22] =	dma.local [hbm:s7], s20  }
0xa0: {  	_ =	swait.ge [sflag:s22], s20  }
0xa1: {  	s6 =	ssub.s32 $0x0, s20;
	[sflag:s22] =	ssyncset.done $0x0  }
0xa2: {  	[sflag:s22] =	ssyncadd.s32 s6;
	_ =	sdelay $0x1  }
0xa3: {  	s23 =	simm.s32 $0x1B8B  }
0xa4: {  	_ =	swait.ge [sflag:s23], $0x1  }
0xa5: {  	[sflag:s23] =	ssyncset.done $0x0  }
0xa6: {  	s25 =	simm.s32 $0x1B8E;
	s24 =	sld [smem:$0x3FFE];
	[sflag:s23] =	ssyncadd.s32 $0xFFFFFFFF  }
0xa7: {  	s26 =	simm.s32 $execute0_lowered;
	[smem:$0x3FD2] =	sst s25  }
0xa8: {  	s7 =	sshll.u32 s26, $0x1;
	_ =	strace $0x80000046;
	[dreg:$0x1] =	wrdreg $0xFFFFFFFF  }
0xa9: {  	s28 =	simm.s32 $_size_execute0_lowered;
	s5 =	sadd.s32 s5, s7;
	[dreg:$0x0] =	wrdreg $0x0  }
0xaa: {  	s7 =	sshll.u32 s28, $0x1;
	[dreg:$0x2] =	wrdreg s5  }
0xab: {  	[dreg:$0x3] =	wrdreg s7  }
0xac: {  	[dreg:$0x4] =	wrdreg $0xC0  }
0xad: {  	_ =	task [dreg:s9], $0x5FFFF  }
0xae: {  	[dreg:$0x1] =	wrdreg $0xFFFFFFFF  }
0xaf: {  	[dreg:$0x0] =	wrdreg $0x60  }
0xb0: {  	[dreg:$0x2] =	wrdreg s2  }
0xb1: {  	[dreg:$0x3] =	wrdreg s4  }
0xb2: {  	[dreg:$0x4] =	wrdreg s24  }
0xb3: {  	[dreg:$0x5] =	wrdreg s18  }
0xb4: {  	[dreg:$0x6] =	wrdreg $0xB0000  }
0xb5: {  	[dreg:$0x7] =	wrdreg $0x9  }
0xb6: {  	_ =	task.clear_ibuf [dreg:s9], $0x8FFFF;
	_ =	strace $0x90000046  }
0xb7: {  	s29 =	simm.s32 $0x9;
	_ =	strace $0x80000048  }
0xb8: {  	_ =	swait.ge [sflag:s29], $0x1  }
0xb9: {  	[sflag:s29] =	ssyncadd.s32 $0xFFFFFFFF  }
0xba: {  	_ =	strace $0x90000048  }
0xbb: {  	_ =	sfence  }
0xbc: {  	s30 =	sld [smem:$0x0];
	_ =	sdelay $0x2  }
0xbd: {  	s31 =	sshll.u32 s1, $0xD;
	s1 =	sshrl.u32 s1, $0x2  }
0xbe: {  	s3 =	sand.u32 $0x4000, s31;
	s1 =	sadd.s32 s1, s30  }
0xbf: {  	s0 =	sor.u32 s3, s0;
	s1 =	sshll.u32 s1, $0x11  }
0xc0: {  	s0 =	sor.u32 s1, s0  }
0xc1: {  	s0 =	sadd.s32 $0x8F2B, s0  }
0xc2: {  	[sflag:s0] =	ssyncadd.remote.s32 $0x1  }
0xc3: {  	_ =	sfence.sel $0xFFFF  }
0xc4: {  	[dreg:$0x0] =	wrdreg $0xFFFFFFFF;
	(pc) =	sbr.abs _section_cstart, $3  }
0xc5: {  	[dreg:$0x1] =	wrdreg $0xFFFFFFFF  }
0xc6: {  	_ =	task.clear_ibuf [dreg:s9], $0x2FFFF;
	_ =	strace $0x9FFFFFFF  }
0xc7: {  	(tm) =	ssettm $0x7FFFFFFF  }
tec
execute0_lowered:
.L_overlay_start_1:
0x0: {  	(tag) =	ssettag $0x1  }
0x1: {  	s0 =	rddreg [dreg:$0x0]  }
0x2: {  	s1 =	rddreg [dreg:$0x1]  }
0x3: {  	s2 =	rddreg [dreg:$0x2]  }
0x4: {  	s3 =	rddreg [dreg:$0x3]  }
0x5: {  	s5 =	srdreg.scid;
	s12 =	stileid.u32  }
0x6: {  	s4 =	rddreg [dreg:$0x4];
	s29 =	simm.s32 $0x1000;
	s8 =	smul.u32 $0x14000, s12  }
0x7: {  	s31 =	simm.s32 $0x3800;
	s6 =	sand.u32 $0x1, s5;
	s9 =	smul.u32 $0x50000, s12  }
0x8: {  	s5 =	simm.s32 $0x0;
	s25 =	sadd.s32 $0xC00, s2;
	s24 =	smul.u32 $0x27100, s12  }
0x9: {  	s10 =	sadd.s32 $0x10C00, s2;
	s23 =	sshll.u32 s12, $0xB;
	s7 =	smul.u32 $0x140000, s6  }
0xa: {  	[smem:$0x7FF] =	sst s5;
	s26 =	ssub.s32 $0x2, s6;
	s11 =	sshll.u32 s6, $0x4  }
0xb: {  	s21 =	sshll.u32 s6, $0xF;
	s6 =	smul.u32 $0x271000, s6;
	_ =	strace $0x80000047  }
0xc: {  	[dreg:$0x6] =	wrdreg s10;
	s28 =	sshrl.u32 s26, $0x1;
	s9 =	sshrl.u32 s9, $0x2  }
0xd: {  	s30 =	sor.u32 s12, s11;
	s10 =	simm.s32 $0x8800;
	s12 =	simm.s32 $0x2  }
0xe: {  	s7 =	sadd.s32 s8, s7;
	s14 =	sadd.s32 s9, s4;
	s19 =	sshll.u32 s30, $0xB  }
0xf: {  	s8 =	sadd.s32 s21, s25;
	s9 =	sadd.s32 $0x2800, s14;
	[dreg:$0x7] =	wrdreg s14  }
0x10: {  	s6 =	sadd.s32 s6, s3;
	s11 =	sadd.s32 $0x5000, s14;
	[dreg:$0x8] =	wrdreg s9  }
0x11: {  	s7 =	sshrl.u32 s7, $0x3;
	s13 =	sadd.s32 $0x7800, s14;
	[dreg:$0x9] =	wrdreg s11  }
0x12: {  	s15 =	sadd.s32 $0xA000, s14;
	s16 =	sadd.s32 $0xC800, s14;
	[dreg:$0xa] =	wrdreg s13  }
0x13: {  	s17 =	sadd.s32 $0xF000, s14;
	s18 =	sadd.s32 $0x11800, s14;
	[dreg:$0xb] =	wrdreg s15  }
0x14: {  	s20 =	sadd.s32 s1, s19;
	s1 =	sadd.s32 s21, s1;
	[dreg:$0xc] =	wrdreg s16  }
0x15: {  	s8 =	sadd.s32 s23, s8;
	s6 =	sadd.s32 s24, s6;
	[dreg:$0xd] =	wrdreg s17  }
0x16: {  	s2 =	sadd.s32 s7, s2;
	s7 =	ssub.s32 s26, s28;
	[dreg:$0xe] =	wrdreg s18  }
0x17: {  	s15 =	smul.u32 $0x2710, s30;
	[dreg:$0xf] =	wrdreg s20;
	s9 =	sadd.s32 s25, s19  }
0x18: {  	s1 =	sadd.s32 s23, s1;
	[dreg:$0x13] =	wrdreg s6;
	s13 =	simm.s32 $0xE  }
0x19: {  	s6 =	simm.s32 $0x50;
	s11 =	simm.s32 $0x7;
	s16 =	simm.s32 $0x0  }
0x1a: {  	[dreg:$0x10] =	wrdreg s9;
	s2 =	sadd.s32 $0x11200, s2;
	s26 =	smax.u32 s7, $0x1  }
0x1b: {  	s24 =	sadd.s32 $0x80, s1;
	s1 =	simm.s32 $0x1;
	[dreg:$0x14] =	wrdreg s2  }
.Ltmp0:
0x1c: {  	s22 =	sadd.s32 $0x50, s15;
	[dreg:$0x15] =	wrdreg s26;
	(pc) =	sbr.rel .LBB2_1-.Ltmp0, $4  }
0x1d: {  	s9 =	simm.s32 $0x6;
	s25 =	sadd.s32 $0xA0, s15;
	[dreg:$0x11] =	wrdreg s22  }
0x1e: {  	s21 =	sadd.s32 $0xF0, s15;
	s28 =	sadd.s32 $0x1E0, s15;
	[dreg:$0x12] =	wrdreg s25  }
0x1f: {  	s30 =	sadd.s32 $0x230, s15;
	s2 =	simm.s32 $0x5;
	[dreg:$0x16] =	wrdreg s28  }
0x20: {  	s25 =	sadd.s32 $0x80, s8;
	[dreg:$0x17] =	wrdreg s30;
	s8 =	simm.s32 $0x6000  }
.LBB2_5:
0x21: {  	_ =	swait.ge [sflag:s2], $0x2800  }
0x22: {  	[sflag:s2] =	ssyncset.done $0x0  }
0x23: {  	s7 =	simm.s32 $0x600;
	s16 =	simm.s32 $0x4;
	[sflag:s2] =	ssyncadd.s32 $0xFFFFD800  }
0x24: {  	[tilespmem:s29], [sflag:$0x1] =	stream.indirect.gather.add.f32 [hbm:s0], $0x80, s7, s6, $0xb8;
	[tilespmem:$0x1F000] =	vst v63  }
0x25: {  	_ =	swait.ge [sflag:s16], $0x2800  }
0x26: {  	[sflag:s16] =	ssyncset.done $0x0  }
0x27: {  	s17 =	simm.s32 $0xD80;
	[sflag:s16] =	ssyncadd.s32 $0xFFFFD800  }
0x28: {  	[spmem:s4] =	stream.indirect.scatter.add.f32 [tilespmem:s10], [sflag:$0xC], $0x80, s17, s6, $0xb8;
	[tilespmem:$0x1F000] =	vst v63  }
0x29: {  	_ =	swait.ge [sflag:s1], $0x2800  }
0x2a: {  	[sflag:s1] =	ssyncset.done $0x0  }
0x2b: {  	s18 =	simm.s32 $0xE00;
	s19 =	simm.s32 $0xA;
	[sflag:s1] =	ssyncadd.s32 $0xFFFFD800  }
0x2c: {  	[spmem:s4] =	stream.indirect.scatter.add.f32 [tilespmem:s29], [sflag:$0x9], $0x80, s18, s6, $0xb8;
	[tilespmem:$0x1F000] =	vst v63  }
0x2d: {  	_ =	swait.ge [sflag:s19], $0x2800  }
0x2e: {  	[sflag:s19] =	ssyncset.done $0x0  }
0x2f: {  	s20 =	simm.s32 $0xB;
	[sflag:s19] =	ssyncadd.s32 $0xFFFFD800  }
0x30: {  	_ =	swait.ge [sflag:s20], $0x2800  }
0x31: {  	[sflag:s20] =	ssyncset.done $0x0  }
0x32: {  	s22 =	simm.s32 $0xC;
	[sflag:s20] =	ssyncadd.s32 $0xFFFFD800  }
0x33: {  	_ =	swait.ge [sflag:s22], $0x2800  }
0x34: {  	[sflag:s22] =	ssyncset.done $0x0  }
0x35: {  	s23 =	simm.s32 $0x9;
	[sflag:s22] =	ssyncadd.s32 $0xFFFFD800  }
0x36: {  	_ =	swait.ge [sflag:s23], $0x2800  }
0x37: {  	[sflag:s23] =	ssyncset.done $0x0  }
0x38: {  	[sflag:s23] =	ssyncadd.s32 $0xFFFFD800  }
0x39: {  	s26 =	stileid.u32;
	[bflag:$0x0] =	sbarrier.arrive $0xFFFF  }
0x3a: {  	s7 =	sshll.u32 s26, $0x6;
	s14 =	rddreg [dreg:$0x7]  }
0x3b: {  	s7 =	sor.u32 $0x1C0E, s7;
	s16 =	rddreg [dreg:$0x14];
	s13 =	sshrl.u32 s14, $0x3  }
0x3c: {  	[hbm:s16], [sflag:s7] =	dma.local [spmem:s13], $0x2800  }
0x3d: {  	s13 =	simm.s32 $0xE  }
0x3e: {  	_ =	swait.ge [sflag:s13], $0x2800  }
0x3f: {  	s28 =	rddreg [dreg:$0x18]  }
0x40: {  	s30 =	rddreg [dreg:$0x15];
	s16 =	sadd.s32 $0x1, s28  }
0x41: {  	p0 =	sne.s32 s16, s30  }
.Ltmp1:
0x42: {  	_ = 	snop;
	(pc) =	sbr.rel @!p0 .LBB2_6-.Ltmp1, $3  }
0x43: {  	_ =	sdelay $0x1  }
0x44: {  	[sflag:s13] =	ssyncset.done $0x0  }
0x45: {  	[sflag:s13] =	ssyncadd.s32 $0xFFFFD800  }
.LBB2_1:
0x46: {  	[dreg:$0x18] =	wrdreg s16  }
0x47: {  	s7 =	rddreg [dreg:$0x6]  }
0x48: {  	[tilespmem:s29], [sflag:$0xE] =	stream.linear.gather [hbm4b:s7+s5], $0x2800, $0x38;
	[tilespmem:$0x1F000] =	vst v63  }
0x49: {  	_ =	swait.ge [sflag:s13], $0x2800  }
0x4a: {  	[sflag:s13] =	ssyncset.done $0x0  }
0x4b: {  	[sflag:s13] =	ssyncadd.s32 $0xFFFFD800  }
0x4c: {  	[spmem:s14] =	stream.linear.scatter [tilespmem:s29], [sflag:$0xE], $0x2800, $0x38;
	[tilespmem:$0x1F000] =	vst v63  }
0x4d: {  	_ =	swait.ge [sflag:s13], $0x2800  }
0x4e: {  	[sflag:s13] =	ssyncset.done $0x0  }
0x4f: {  	s16 =	rddreg [dreg:$0x8];
	[sflag:s13] =	ssyncadd.s32 $0xFFFFD800  }
0x50: {  	[spmem:s16] =	stream.linear.scatter [tilespmem:s29], [sflag:$0xE], $0x2800, $0x38;
	[tilespmem:$0x1F000] =	vst v63  }
0x51: {  	_ =	swait.ge [sflag:s13], $0x2800  }
0x52: {  	[sflag:s13] =	ssyncset.done $0x0  }
0x53: {  	s17 =	rddreg [dreg:$0x9];
	[sflag:s13] =	ssyncadd.s32 $0xFFFFD800  }
0x54: {  	[spmem:s17] =	stream.linear.scatter [tilespmem:s29], [sflag:$0xE], $0x2800, $0x38;
	[tilespmem:$0x1F000] =	vst v63  }
0x55: {  	_ =	swait.ge [sflag:s13], $0x2800  }
0x56: {  	[sflag:s13] =	ssyncset.done $0x0  }
0x57: {  	s18 =	rddreg [dreg:$0xa];
	[sflag:s13] =	ssyncadd.s32 $0xFFFFD800  }
0x58: {  	[spmem:s18] =	stream.linear.scatter [tilespmem:s29], [sflag:$0xE], $0x2800, $0x38;
	[tilespmem:$0x1F000] =	vst v63  }
0x59: {  	_ =	swait.ge [sflag:s13], $0x2800  }
0x5a: {  	[sflag:s13] =	ssyncset.done $0x0  }
0x5b: {  	s19 =	rddreg [dreg:$0xb];
	[sflag:s13] =	ssyncadd.s32 $0xFFFFD800  }
0x5c: {  	[spmem:s19] =	stream.linear.scatter [tilespmem:s29], [sflag:$0xE], $0x2800, $0x38;
	[tilespmem:$0x1F000] =	vst v63  }
0x5d: {  	_ =	swait.ge [sflag:s13], $0x2800  }
0x5e: {  	[sflag:s13] =	ssyncset.done $0x0  }
0x5f: {  	s20 =	rddreg [dreg:$0xc];
	[sflag:s13] =	ssyncadd.s32 $0xFFFFD800  }
0x60: {  	[spmem:s20] =	stream.linear.scatter [tilespmem:s29], [sflag:$0xE], $0x2800, $0x38;
	[tilespmem:$0x1F000] =	vst v63  }
0x61: {  	_ =	swait.ge [sflag:s13], $0x2800  }
0x62: {  	[sflag:s13] =	ssyncset.done $0x0  }
0x63: {  	s22 =	rddreg [dreg:$0xd];
	[sflag:s13] =	ssyncadd.s32 $0xFFFFD800  }
0x64: {  	[spmem:s22] =	stream.linear.scatter [tilespmem:s29], [sflag:$0xE], $0x2800, $0x38;
	[tilespmem:$0x1F000] =	vst v63  }
0x65: {  	_ =	swait.ge [sflag:s13], $0x2800  }
0x66: {  	[sflag:s13] =	ssyncset.done $0x0  }
0x67: {  	s23 =	rddreg [dreg:$0xe];
	[sflag:s13] =	ssyncadd.s32 $0xFFFFD800  }
0x68: {  	[spmem:s23] =	stream.linear.scatter [tilespmem:s29], [sflag:$0xE], $0x2800, $0x38;
	[tilespmem:$0x1F000] =	vst v63  }
0x69: {  	_ =	swait.ge [sflag:s13], $0x2800  }
0x6a: {  	[sflag:s13] =	ssyncset.done $0x0  }
0x6b: {  	[sflag:s13] =	ssyncadd.s32 $0xFFFFD800  }
0x6c: {  	[bflag:$0x0] =	sbarrier.arrive $0xFFFF  }
0x6d: {  	s26 =	rddreg [dreg:$0xf]  }
0x6e: {  	[tilespmem:s5], [sflag:$0xE] =	stream.linear.gather [hbm4b:s26+s5], $0x400, $0x38;
	[tilespmem:$0x1F000] =	vst v63  }
0x6f: {  	_ =	swait.ge [sflag:s13], $0x400  }
0x70: {  	s30 =	simm.s32 $0x800;
	[sflag:s13] =	ssyncset.done $0x0  }
.Ltmp2:
0x71: {  	s28 =	rddreg [dreg:$0x10];
	[sflag:s13] =	ssyncadd.s32 $0xFFFFFC00;
	(pc) =	sbr.rel .LBB2_2-.Ltmp2, $4  }
0x72: {  	[tilespmem:s30], [sflag:$0xE] =	stream.linear.gather [hbm4b:s28+s5], $0x400, $0x38;
	[tilespmem:$0x1F000] =	vst v63  }
0x73: {  	_ =	swait.ge [sflag:s13], $0x400  }
0x74: {  	s22 =	simm.s32 $0x0;
	s23 =	simm.s32 $0x0;
	[sflag:s13] =	ssyncset.done $0x0  }
0x75: {  	s20 =	rddreg [dreg:$0x13];
	[sflag:s13] =	ssyncadd.s32 $0xFFFFFC00;
	s13 =	simm.s32 $0x0  }
.LBB2_4:
0x76: {  	s22 =	sadd.s32 $0x80, s22  }
0x77: {  	p0 =	sne.s32 s22, $0x800  }
.Ltmp3:
0x78: {  	_ = 	snop;
	(pc) =	sbr.rel @!p0 .LBB2_5-.Ltmp3, $2  }
0x79: {  	_ =	sdelay $0x2  }
0x7a: {  	s13 =	sadd.s32 $0x8, s13;
	s20 =	sadd.s32 $0x2800, s20;
	s23 =	sadd.s32 $0x1, s23  }
.LBB2_2:
0x7b: {  	p0 =	seq.s32 s22, $0x0  }
0x7c: {  	s7 =	simm.s32 @!p0 $0xD  }
0x7d: {  	_ =	swait.ge @!p0 [sflag:s7], $0x400  }
0x7e: {  	[sflag:s7] =	ssyncset.done @!p0 $0x0  }
0x7f: {  	[sflag:s7] =	ssyncadd.s32 @!p0 $0xFFFFFC00  }
0x80: {  	_ =	swait.ge @!p0 [sflag:s7], $0x400  }
0x81: {  	[sflag:s7] =	ssyncset.done @!p0 $0x0  }
0x82: {  	[sflag:s7] =	ssyncadd.s32 @!p0 $0xFFFFFC00;
	s7 =	simm.s32 @!p0 $0x9  }
0x83: {  	_ =	swait.ge @!p0 [sflag:s7], $0x2800  }
0x84: {  	s26 =	sand.u32 $0x1, s23;
	[sflag:s7] =	ssyncset.done @!p0 $0x0  }
0x85: {  	s30 =	sxor.u32 @!p0 $0x1, s26;
	[sflag:s7] =	ssyncadd.s32 @!p0 $0xFFFFD800;
	s7 =	simm.s32 @!p0 $0x8  }
0x86: {  	[tilespmem:s29], [sflag:$0x5] =	stream.linear.gather [hbm4b:s20+s5], $0x2800, $0x38;
	[tilespmem:$0x1F000] =	vst v63  }
0x87: {  	s16 =	simm.s32 @!p0 $0x50;
	s30 =	simm.s32 @p0 $0x1;
	_ =	swait.ge @!p0 [sflag:s7], $0x2800  }
0x88: {  	s17 =	simm.s32 @!p0 $0x8800;
	s14 =	sshll.u32 @!p0 s30, $0xA;
	[sflag:s7] =	ssyncset.done @!p0 $0x0  }
0x89: {  	s28 =	simm.s32 @!p0 $0x3;
	[sflag:s7] =	ssyncadd.s32 @!p0 $0xFFFFD800;
	s7 =	sor.u32 @!p0 $0x380, s14  }
0x8a: {  	[tilespmem:s17], [sflag:$0x4] =	stream.indirect.gather.add.f32 @!p0 [hbm:s0], $0x80, s7, s16, $0xb8;
	[tilespmem:$0x1F000] =	vst v63  }
0x8b: {  	_ =	swait.ge @!p0 [sflag:s28], $0x2800  }
0x8c: {  	s18 =	simm.s32 @!p0 $0x6000;
	[sflag:s28] =	ssyncset.done @!p0 $0x0  }
0x8d: {  	s7 =	smov.u32 s13;
	[sflag:s28] =	ssyncadd.s32 @!p0 $0xFFFFD800;
	s28 =	sor.u32 @!p0 $0xB00, s14  }
0x8e: {  	[spmem:s4] =	stream.indirect.scatter.add.f32 @!p0 [tilespmem:s18], [sflag:$0xB], $0x80, s28, s16, $0xb8;
	[tilespmem:$0x1F000] =	vst v63  }
0x8f: {  	s7 =	simm.s32 @p0 $0x0;
	s18 =	simm.s32 @!p0 $0xA  }
0x90: {  	s28 =	smul.u32 $0x50, s7;
	_ =	swait.ge @!p0 [sflag:s18], $0x2800  }
0x91: {  	s19 =	rddreg [dreg:$0x11]  }
0x92: {  	s19 =	sadd.s32 s28, s19  }
0x93: {  	[sflag:s18] =	ssyncset.done @!p0 $0x0;
	s19 =	sshll.u32 s19, $0x4  }
0x94: {  	[sflag:s18] =	ssyncadd.s32 @!p0 $0xFFFFD800;
	s19 =	sadd.s32 s3, s19  }
0x95: {  	[tilespmem:s31], [sflag:$0x6] =	stream.linear.gather [hbm4b:s19+s5], $0x2800, $0x38;
	[tilespmem:$0x1F000] =	vst v63  }
0x96: {  	_ =	swait.ge [sflag:s2], $0x2800  }
0x97: {  	s26 =	sshll.u32 s26, $0xC;
	[sflag:s2] =	ssyncset.done $0x0  }
0x98: {  	s26 =	sshrl.u32 s26, $0x2;
	s18 =	simm.s32 @!p0 $0x4;
	[sflag:s2] =	ssyncadd.s32 $0xFFFFD800  }
0x99: {  	[tilespmem:s29], [sflag:$0x1] =	stream.indirect.gather.add.f32 [hbm:s0], $0x80, s26, s6, $0xb8;
	[tilespmem:$0x1F000] =	vst v63  }
0x9a: {  	_ =	swait.ge @!p0 [sflag:s18], $0x2800  }
0x9b: {  	[sflag:s18] =	ssyncset.done @!p0 $0x0  }
0x9c: {  	s14 =	sor.u32 @!p0 $0xB80, s14;
	[sflag:s18] =	ssyncadd.s32 @!p0 $0xFFFFD800  }
0x9d: {  	[spmem:s4] =	stream.indirect.scatter.add.f32 @!p0 [tilespmem:s17], [sflag:$0xC], $0x80, s14, s16, $0xb8;
	[tilespmem:$0x1F000] =	vst v63  }
0x9e: {  	s14 =	simm.s32 @!p0 $0xB  }
0x9f: {  	_ =	swait.ge @!p0 [sflag:s14], $0x2800  }
0xa0: {  	s19 =	rddreg [dreg:$0x12]  }
0xa1: {  	s16 =	sadd.s32 s28, s19  }
0xa2: {  	[sflag:s14] =	ssyncset.done @!p0 $0x0;
	s16 =	sshll.u32 s16, $0x4  }
0xa3: {  	[sflag:s14] =	ssyncadd.s32 @!p0 $0xFFFFD800;
	s16 =	sadd.s32 s3, s16  }
0xa4: {  	[tilespmem:s8], [sflag:$0x7] =	stream.linear.gather [hbm4b:s16+s5], $0x2800, $0x38;
	[tilespmem:$0x1F000] =	vst v63  }
0xa5: {  	_ =	swait.ge [sflag:s9], $0x2800  }
0xa6: {  	[sflag:s9] =	ssyncset.done $0x0  }
0xa7: {  	s17 =	sadd.s32 $0x80, s26;
	[sflag:s9] =	ssyncadd.s32 $0xFFFFD800  }
0xa8: {  	[tilespmem:s31], [sflag:$0x2] =	stream.indirect.gather.add.f32 [hbm:s0], $0x80, s17, s6, $0xb8;
	[tilespmem:$0x1F000] =	vst v63  }
0xa9: {  	_ =	swait.ge [sflag:s1], $0x2800  }
0xaa: {  	[sflag:s1] =	ssyncset.done $0x0  }
0xab: {  	s18 =	sor.u32 $0x800, s26;
	s14 =	simm.s32 @!p0 $0xC;
	[sflag:s1] =	ssyncadd.s32 $0xFFFFD800  }
0xac: {  	[spmem:s4] =	stream.indirect.scatter.add.f32 [tilespmem:s29], [sflag:$0x9], $0x80, s18, s6, $0xb8;
	[tilespmem:$0x1F000] =	vst v63  }
0xad: {  	s19 =	sadd.s32 s28, s21;
	_ =	swait.ge @!p0 [sflag:s14], $0x2800  }
0xae: {  	s16 =	sshll.u32 s19, $0x4;
	[sflag:s14] =	ssyncset.done @!p0 $0x0  }
0xaf: {  	s17 =	sadd.s32 s3, s16;
	[sflag:s14] =	ssyncadd.s32 @!p0 $0xFFFFD800  }
0xb0: {  	[tilespmem:s10], [sflag:$0x8] =	stream.linear.gather [hbm4b:s17+s5], $0x2800, $0x38;
	[tilespmem:$0x1F000] =	vst v63  }
0xb1: {  	_ =	swait.ge [sflag:s11], $0x2800  }
0xb2: {  	[sflag:s11] =	ssyncset.done $0x0  }
0xb3: {  	s18 =	sadd.s32 $0x100, s26;
	[sflag:s11] =	ssyncadd.s32 $0xFFFFD800  }
0xb4: {  	[tilespmem:s8], [sflag:$0x3] =	stream.indirect.gather.add.f32 [hbm:s0], $0x80, s18, s6, $0xb8;
	[tilespmem:$0x1F000] =	vst v63  }
0xb5: {  	s14 =	sor.u32 $0x4, s7;
	_ =	swait.ge [sflag:s12], $0x2800  }
0xb6: {  	s19 =	sadd.s32 $0x880, s26;
	p0 =	sgt.u32 s14, $0x7C;
	[sflag:s12] =	ssyncset.done $0x0  }
0xb7: {  	s16 =	simm.s32 @!p0 $0x9;
	s14 =	smul.u32 @!p0 $0x50, s14;
	[sflag:s12] =	ssyncadd.s32 $0xFFFFD800  }
0xb8: {  	[spmem:s4] =	stream.indirect.scatter.add.f32 [tilespmem:s31], [sflag:$0xA], $0x80, s19, s6, $0xb8;
	[tilespmem:$0x1F000] =	vst v63  }
0xb9: {  	s14 =	sadd.s32 @!p0 s15, s14;
	_ =	swait.ge @!p0 [sflag:s16], $0x2800  }
0xba: {  	s17 =	simm.s32 @!p0 $0x1000;
	s14 =	sshll.u32 @!p0 s14, $0x4;
	[sflag:s16] =	ssyncset.done @!p0 $0x0  }
0xbb: {  	s14 =	sadd.s32 @!p0 s3, s14;
	[sflag:s16] =	ssyncadd.s32 @!p0 $0xFFFFD800;
	s16 =	simm.s32 @!p0 $0x0  }
0xbc: {  	[tilespmem:s17], [sflag:$0x5] =	stream.linear.gather @!p0 [hbm4b:s14+s16], $0x2800, $0x38;
	[tilespmem:$0x1F000] =	vst v63  }
0xbd: {  	s14 =	simm.s32 @!p0 $0x8  }
0xbe: {  	_ =	swait.ge @!p0 [sflag:s14], $0x2800  }
0xbf: {  	s16 =	simm.s32 @!p0 $0x50;
	[sflag:s14] =	ssyncset.done @!p0 $0x0  }
0xc0: {  	s17 =	simm.s32 @!p0 $0x8800;
	[sflag:s14] =	ssyncadd.s32 @!p0 $0xFFFFD800;
	s14 =	sadd.s32 @!p0 $0x180, s26  }
0xc1: {  	[tilespmem:s17], [sflag:$0x4] =	stream.indirect.gather.add.f32 @!p0 [hbm:s0], $0x80, s14, s16, $0xb8;
	[tilespmem:$0x1F000] =	vst v63  }
0xc2: {  	s14 =	simm.s32 @!p0 $0x3  }
0xc3: {  	_ =	swait.ge @!p0 [sflag:s14], $0x2800  }
0xc4: {  	[sflag:s14] =	ssyncset.done @!p0 $0x0  }
0xc5: {  	s17 =	simm.s32 @!p0 $0x6000;
	[sflag:s14] =	ssyncadd.s32 @!p0 $0xFFFFD800;
	s14 =	sadd.s32 @!p0 $0x900, s26  }
0xc6: {  	[spmem:s4] =	stream.indirect.scatter.add.f32 @!p0 [tilespmem:s17], [sflag:$0xB], $0x80, s14, s16, $0xb8;
	[tilespmem:$0x1F000] =	vst v63  }
0xc7: {  	p0 =	seq.s32 s22, $0x780  }
0xc8: {  	s14 =	sshll.u32 @!p0 s30, $0xA;
	s16 =	sadd.s32 @!p0 s22, s24;
	s17 =	simm.s32 @!p0 $0x0  }
0xc9: {  	[tilespmem:s14], [sflag:$0xD] =	stream.linear.gather @!p0 [hbm4b:s16+s17], $0x400, $0x38;
	[tilespmem:$0x1F000] =	vst v63  }
0xca: {  	s7 =	sor.u32 $0x5, s7;
	s14 =	sor.u32 @!p0 $0x800, s14;
	s16 =	sadd.s32 @!p0 s22, s25  }
0xcb: {  	[tilespmem:s14], [sflag:$0xD] =	stream.linear.gather @!p0 [hbm4b:s16+s17], $0x400, $0x38;
	[tilespmem:$0x1F000] =	vst v63  }
0xcc: {  	p0 =	sgt.u32 s7, $0x7C  }
.Ltmp4:
0xcd: {  	_ = 	snop;
	(pc) =	sbr.rel @p0 .LBB2_4-.Ltmp4, $1  }
0xce: {  	_ =	sdelay $0x3  }
0xcf: {  	s7 =	smul.u32 $0x50, s7  }
0xd0: {  	s14 =	simm.s32 $0xA  }
0xd1: {  	_ =	swait.ge [sflag:s14], $0x2800;
	s7 =	sadd.s32 s15, s7  }
0xd2: {  	[sflag:s14] =	ssyncset.done $0x0;
	s7 =	sshll.u32 s7, $0x4  }
0xd3: {  	[sflag:s14] =	ssyncadd.s32 $0xFFFFD800;
	s7 =	sadd.s32 s3, s7  }
0xd4: {  	[tilespmem:s31], [sflag:$0x6] =	stream.linear.gather [hbm4b:s7+s5], $0x2800, $0x38;
	[tilespmem:$0x1F000] =	vst v63  }
0xd5: {  	_ =	swait.ge [sflag:s2], $0x2800  }
0xd6: {  	[sflag:s2] =	ssyncset.done $0x0  }
0xd7: {  	s16 =	sadd.s32 $0x200, s26;
	s17 =	simm.s32 $0x4;
	[sflag:s2] =	ssyncadd.s32 $0xFFFFD800  }
0xd8: {  	[tilespmem:s29], [sflag:$0x1] =	stream.indirect.gather.add.f32 [hbm:s0], $0x80, s16, s6, $0xb8;
	[tilespmem:$0x1F000] =	vst v63  }
0xd9: {  	_ =	swait.ge [sflag:s17], $0x2800  }
0xda: {  	[sflag:s17] =	ssyncset.done $0x0  }
0xdb: {  	s18 =	sadd.s32 $0x980, s26;
	s19 =	simm.s32 $0xB;
	[sflag:s17] =	ssyncadd.s32 $0xFFFFD800  }
0xdc: {  	[spmem:s4] =	stream.indirect.scatter.add.f32 [tilespmem:s10], [sflag:$0xC], $0x80, s18, s6, $0xb8;
	[tilespmem:$0x1F000] =	vst v63  }
0xdd: {  	_ =	swait.ge [sflag:s19], $0x2800  }
0xde: {  	s30 =	rddreg [dreg:$0x16]  }
0xdf: {  	s7 =	sadd.s32 s28, s30  }
0xe0: {  	[sflag:s19] =	ssyncset.done $0x0;
	s7 =	sshll.u32 s7, $0x4  }
0xe1: {  	[sflag:s19] =	ssyncadd.s32 $0xFFFFD800;
	s7 =	sadd.s32 s3, s7  }
0xe2: {  	[tilespmem:s8], [sflag:$0x7] =	stream.linear.gather [hbm4b:s7+s5], $0x2800, $0x38;
	[tilespmem:$0x1F000] =	vst v63  }
0xe3: {  	_ =	swait.ge [sflag:s9], $0x2800  }
0xe4: {  	[sflag:s9] =	ssyncset.done $0x0  }
0xe5: {  	s16 =	sadd.s32 $0x280, s26;
	[sflag:s9] =	ssyncadd.s32 $0xFFFFD800  }
0xe6: {  	[tilespmem:s31], [sflag:$0x2] =	stream.indirect.gather.add.f32 [hbm:s0], $0x80, s16, s6, $0xb8;
	[tilespmem:$0x1F000] =	vst v63  }
0xe7: {  	_ =	swait.ge [sflag:s1], $0x2800  }
0xe8: {  	[sflag:s1] =	ssyncset.done $0x0  }
0xe9: {  	s17 =	sadd.s32 $0xA00, s26;
	s18 =	simm.s32 $0xC;
	[sflag:s1] =	ssyncadd.s32 $0xFFFFD800  }
0xea: {  	[spmem:s4] =	stream.indirect.scatter.add.f32 [tilespmem:s29], [sflag:$0x9], $0x80, s17, s6, $0xb8;
	[tilespmem:$0x1F000] =	vst v63  }
0xeb: {  	_ =	swait.ge [sflag:s18], $0x2800  }
0xec: {  	s19 =	rddreg [dreg:$0x17]  }
0xed: {  	s7 =	sadd.s32 s28, s19  }
0xee: {  	[sflag:s18] =	ssyncset.done $0x0;
	s7 =	sshll.u32 s7, $0x4  }
0xef: {  	[sflag:s18] =	ssyncadd.s32 $0xFFFFD800;
	s7 =	sadd.s32 s3, s7  }
0xf0: {  	[tilespmem:s10], [sflag:$0x8] =	stream.linear.gather [hbm4b:s7+s5], $0x2800, $0x38;
	[tilespmem:$0x1F000] =	vst v63  }
0xf1: {  	_ =	swait.ge [sflag:s11], $0x2800  }
0xf2: {  	[sflag:s11] =	ssyncset.done $0x0  }
0xf3: {  	s28 =	sadd.s32 $0x300, s26;
	[sflag:s11] =	ssyncadd.s32 $0xFFFFD800  }
0xf4: {  	[tilespmem:s8], [sflag:$0x3] =	stream.indirect.gather.add.f32 [hbm:s0], $0x80, s28, s6, $0xb8;
	[tilespmem:$0x1F000] =	vst v63  }
.Ltmp5:
0xf5: {  	_ = 	snop;
	(pc) =	sbr.rel .LBB2_4-.Ltmp5, $4  }
0xf6: {  	_ =	swait.ge [sflag:s12], $0x2800  }
0xf7: {  	[sflag:s12] =	ssyncset.done $0x0  }
0xf8: {  	s30 =	sadd.s32 $0xA80, s26;
	[sflag:s12] =	ssyncadd.s32 $0xFFFFD800  }
0xf9: {  	[spmem:s4] =	stream.indirect.scatter.add.f32 [tilespmem:s31], [sflag:$0xA], $0x80, s30, s6, $0xb8;
	[tilespmem:$0x1F000] =	vst v63  }
.LBB2_6:
0xfa: {  	_ =	sfence.sel $0x180000  }
0xfb: {  	[bflag:$0x0] =	sbarrier.arrive $0xFFFF  }
0xfc: {  	_ =	strace $0x90000047  }
0xfd: {  	s0 =	stileid.u32;
	[bflag:$0x2] =	sbarrier.arrive $0xFFFF  }
0xfe: {  	p0 =	sne.s32 s0, $0x0;
	s0 =	rddreg [dreg:$0x5]  }
0xff: {  	s0 =	sadd.s32 @!p0 $0x100000, s0  }
0x100: {  	[sflag:s0] =	ssyncadd.tile.s32 @!p0 $0x1;
	_ =	shalt  }
.Lfunc_end2:
_tile_overlayer_lowered:
.L_overlay_start_2:
0x101: {  	(tag) =	ssettag $0x2  }
0x102: {  	s0 =	rddreg [dreg:$0x0];
	s2 =	stileid.u32  }
0x103: {  	s1 =	rddreg [dreg:$0x1];
	p0 =	sne.s32 s2, $0x0  }
0x104: {  	s3 =	rddreg [dreg:$0x2];
	[bflag:$0x3] =	sbarrier.arrive $0xFFFF;
	s2 =	simm.s32 @!p0 $0x1C0E  }
0x105: {  	[timem:s3], [sflag:s2] =	dma.local @!p0 [hbm:s0], s1  }
0x106: {  	s0 =	simm.s32 @!p0 $0xE  }
0x107: {  	_ =	swait.ge @!p0 [sflag:s0], s1  }
0x108: {  	s1 =	ssub.s32 @!p0 $0x0, s1;
	[sflag:s0] =	ssyncset.done @!p0 $0x0  }
0x109: {  	[sflag:s0] =	ssyncadd.s32 @!p0 s1  }
0x10a: {  	[bflag:$0x3] =	sbarrier.arrive $0xFFFF  }
0x10b: {  	_ =	shalt  }

</sc_bundles>
